<compile_context>
chip_gen: v7x
topology: tpu7x:2x2x1
jax: 0.10.2.dev20260603
libtpu: 0.0.44.dev20260713+nightly
codegen_flags: <defaults>
</compile_context>

<pallas_src>
import functools

import jax
import jax.numpy as jnp
from jax import lax
from jax.experimental import pallas as pl
from jax.experimental.pallas import tpu as pltpu
from jax.experimental.pallas import tpu_sc as plsc

N_ROWS = 1_000_000
EMBED_DIM = 64
BATCH = 16384

_info = plsc.get_sparse_core_info()
_NC, _NS = _info.num_cores, _info.num_subcores
_NW = _NC * _NS
_NQ = 4
_NTC = 8
_B_PER_Q = BATCH // _NQ
_BB = 32
_NBATCH = _B_PER_Q // _BB


@functools.partial(
    pl.kernel,
    mesh=plsc.VectorSubcoreMesh(core_axis_name="c", subcore_axis_name="s"),
    out_type=jax.ShapeDtypeStruct((EMBED_DIM, BATCH), jnp.float32),
    scratch_types=[
        pltpu.VMEM((_B_PER_Q,), jnp.int32),
        pltpu.VMEM((2, _BB, 8, 128), jnp.float32),
        pltpu.VMEM((8, _B_PER_Q), jnp.float32),
        pltpu.SemaphoreType.DMA,
    ],
    compiler_params=pltpu.CompilerParams(needs_layout_passes=False),
)
def _gather_kernel(
    ids_hbm, table_t_hbm, out_t_hbm, idx_v, tiles_v, out_vt, sem
):
    wid = lax.axis_index("s") * _NC + lax.axis_index("c")
    q = wid >> 3
    tc = wid & 7
    c0 = tc * 8
    idbase = q * _B_PER_Q
    pltpu.sync_copy(ids_hbm.at[pl.ds(idbase, _B_PER_Q)], idx_v)

    lane_iota = lax.iota(jnp.int32, 16)
    sub_idx = lane_iota & 7
    pair_sel = lane_iota < 8

    def fetch_batch(g):
        buf = g & 1
        for k2 in range(_BB // 16):
            v = idx_v[pl.ds(g * _BB + k2 * 16, 16)]
            for k in range(16):
                rb = v[k] >> 7
                pltpu.async_copy(
                    table_t_hbm.at[pl.ds(c0, 8), pl.ds(rb * 128, 128)],
                    tiles_v.at[buf, k2 * 16 + k],
                    sem,
                )

    def extract_batch(h):
        buf = h & 1
        pltpu.make_async_copy(
            table_t_hbm.at[pl.ds(0, 8), pl.ds(0, _B_PER_Q)], out_vt, sem
        ).wait()
        for k2 in range(_BB // 16):
            lanes = idx_v[pl.ds(h * _BB + k2 * 16, 16)] & 127
            for p in range(8):
                slot = jnp.where(
                    pair_sel, k2 * 16 + 2 * p, k2 * 16 + 2 * p + 1
                )
                lane = jnp.where(pair_sel, lanes[2 * p], lanes[2 * p + 1])
                vals = plsc.load_gather(
                    tiles_v,
                    [jnp.full((16,), buf, jnp.int32), slot, sub_idx, lane],
                )
                bidx = h * _BB + k2 * 16 + 2 * p + jnp.where(
                    pair_sel, 0, 1
                )
                plsc.store_scatter(out_vt, [sub_idx, bidx], vals)

    def body(g, carry):
        @pl.when(g < _NBATCH)
        def _():
            fetch_batch(g)

        @pl.when(g > 0)
        def _():
            extract_batch(g - 1)

        return carry

    lax.fori_loop(0, _NBATCH + 1, body, 0)
    pltpu.sync_copy(
        out_vt, out_t_hbm.at[pl.ds(c0, 8), pl.ds(idbase, _B_PER_Q)]
    )


def kernel(ids, table):
    out_t = _gather_kernel(ids.reshape(BATCH), table.T)
    return out_t.T

# --- scband reference (transcript-rebuilt; emitter-appended) ---
"""Pipeline reference for scband-itemized-layer-62431644615006 (READ-ONLY COPY).

The authoritative reference and input builder live on the scoring server;
editing this copy changes nothing except your own understanding.
"""

import jax, jax.numpy as jnp
import numpy as np

N_ITEMS = 1000000
EMBED_DIM = 64
BATCH = 16384


def setup_inputs(seed: int = 0) -> dict:
    key = jax.random.key(seed)
    k1, k2 = jax.random.split(key)
    ids = jax.random.randint(k1, (BATCH, 1), 0, N_ITEMS, dtype=jnp.int32)
    # learned parameter: embedding table sized per init_kwargs (n_items x embed_dim)
    table = jax.random.normal(k2, (N_ITEMS, EMBED_DIM), dtype=jnp.float32) * 0.05
    return {"ids": ids, "table": table}


def reference(ids, table):
    # ItemizedLayer._init_parameter builds: Embedding(n_items, flattened_dim, input_length=1)
    # followed by Reshape(output_dim). With dim=EMBED_DIM (an int), the chain is:
    #   emb = Embedding(ids)        -> [B, 1, EMBED_DIM]
    #   out = Reshape((EMBED_DIM,)) -> [B, EMBED_DIM]
    # shared_embedding_projection=False, so no Dense projection.
    emb = table[ids]  # gather: [B, 1, EMBED_DIM]
    out = emb.reshape(ids.shape[0], EMBED_DIM)
    return out

if __name__ == "__main__":
    import jax
    _d = setup_inputs()
    print(jax.jit(kernel)(*tuple(_d.values())))

</pallas_src>

<mosaic_0001>
#map = affine_map<(d0, d1) -> (0)>
#map1 = affine_map<(d0, d1) -> (0, 0)>
module attributes {stable_mosaic.version = 14 : i64} {
  func.func @_gather_kernel(%arg0: i32, %arg1: i32, %arg2: memref<16384xi32, #tpu.memory_space<hbm>>, %arg3: memref<64x1000000xf32, #tpu.memory_space<hbm>>, %arg4: memref<64x16384xf32, #tpu.memory_space<hbm>>, %arg5: memref<4096xi32, #tpu.memory_space<vmem>>, %arg6: memref<2x32x8x128xf32, #tpu.memory_space<vmem>>, %arg7: memref<8x4096xf32, #tpu.memory_space<vmem>>, %arg8: memref<!tpu.dma_semaphore, #tpu.memory_space<semaphore_mem>>) attributes {dimension_semantics = [#tpu.dimension_semantics<core_parallel>, #tpu.dimension_semantics<subcore_parallel>], iteration_bounds = array<i64: 2, 16>, scalar_prefetch = 0 : i64, scratch_operands = 4 : i64, tpu.core_type = #tpu.core_type<sc_vector_subcore>, window_params = [{transform_indices = #map}, {transform_indices = #map1}, {transform_indices = #map1}]} {
    %mul3A = arith.constant 2 : i32
    %mul3A_0 = arith.muli %arg1, %mul3A : i32
    %add3A = arith.addi %mul3A_0, %arg0 : i32
    %shift_right_arithmetic3A = arith.constant 3 : i32
    %shift_right_arithmetic3A_1 = arith.shrsi %add3A, %shift_right_arithmetic3A : i32
    %and3A = arith.constant 7 : i32
    %and3A_2 = arith.andi %add3A, %and3A : i32
    %mul3A_3 = arith.constant 8 : i32
    %mul3A_4 = arith.muli %and3A_2, %mul3A_3 : i32
    %mul3A_5 = arith.constant 4096 : i32
    %mul3A_6 = arith.muli %shift_right_arithmetic3A_1, %mul3A_5 : i32
    "tpu.region"() ({
      %run_scoped3A = tpu.sem_alloc : memref<!tpu.dma_semaphore, #tpu.memory_space<semaphore_mem>>
      %dma_start3A = tpu.memref_slice %arg2[%mul3A_6] : memref<16384xi32, #tpu.memory_space<hbm>> -> memref<4096xi32, #tpu.memory_space<hbm>>
      %dma_start3A_17 = tpu.memref_slice %arg2[%mul3A_6] : memref<16384xi32, #tpu.memory_space<hbm>> -> memref<4096xi32, #tpu.memory_space<hbm>>
      tpu.enqueue_dma source(%dma_start3A_17 : memref<4096xi32, #tpu.memory_space<hbm>>) target(%arg5 : memref<4096xi32, #tpu.memory_space<vmem>>) target_semaphore(%run_scoped3A : memref<!tpu.dma_semaphore, #tpu.memory_space<semaphore_mem>>)
      %dma_wait3A = tpu.memref_slice %arg2[%mul3A_6] : memref<16384xi32, #tpu.memory_space<hbm>> -> memref<4096xi32, #tpu.memory_space<hbm>>
      %dma_wait3A_18 = tpu.memref_slice %arg2[%mul3A_6] : memref<16384xi32, #tpu.memory_space<hbm>> -> memref<4096xi32, #tpu.memory_space<hbm>>
      tpu.wait_dma2 semaphore(%run_scoped3A : memref<!tpu.dma_semaphore, #tpu.memory_space<semaphore_mem>>) src(%dma_wait3A_18 : memref<4096xi32, #tpu.memory_space<hbm>>) dst(%arg5 : memref<4096xi32, #tpu.memory_space<vmem>>)
      tpu.yield
    }) : () -> ()
    %iota3A = tpu.iota {dimensions = array<i32: 0>} : vector<16xi32>
    %and3A_7 = arith.constant 7 : i32
    %and3A_8 = vector.broadcast %and3A_7 : i32 to vector<16xi32>
    %and3A_9 = arith.andi %iota3A, %and3A_8 : vector<16xi32>
    %lt3A = arith.constant 8 : i32
    %lt3A_10 = vector.broadcast %lt3A : i32 to vector<16xi32>
    %lt3A_11 = arith.cmpi slt, %iota3A, %lt3A_10 : vector<16xi32>
    %scan3A = arith.constant 0 : i32
    %scan3A_12 = arith.constant 0 : i32
    %scan3A_13 = arith.constant 129 : i32
    %scan3A_14 = arith.addi %scan3A_12, %scan3A_13 : i32
    %scan3A_15 = arith.constant 1 : i32
    scf.for %scan3A_17 = %scan3A_12 to %scan3A_14 step %scan3A_15  : i32 {
      %lt3A_18 = arith.constant 128 : i32
      %lt3A_19 = arith.cmpi slt, %scan3A_17, %lt3A_18 : i32
      %convert_element_type3A = arith.extui %lt3A_19 : i1 to i32
      %cond3A = arith.constant 0 : i32
      %cond3A_20 = arith.cmpi ne, %convert_element_type3A, %cond3A : i32
      scf.if %cond3A_20 {
        %and3A_25 = arith.constant 1 : i32
        %and3A_26 = arith.andi %scan3A_17, %and3A_25 : i32
        %mul3A_27 = arith.constant 32 : i32
        %mul3A_28 = arith.muli %scan3A_17, %mul3A_27 : i32
        %add3A_29 = arith.constant 0 : i32
        %add3A_30 = arith.addi %mul3A_28, %add3A_29 : i32
        %get3A = arith.index_cast %add3A_30 : i32 to index
        %get3A_31 = tpu.vector_load %arg5[%get3A] {strides = array<i32>} : memref<4096xi32, #tpu.memory_space<vmem>>, vector<16xi32>,
        %slice3A = vector.extract_strided_slice %get3A_31 {offsets = [0], sizes = [1], strides = [1]} : vector<16xi32> to vector<1xi32>
        %squeeze3A = vector.extract %slice3A[0] : i32 from vector<1xi32>
        %shift_right_arithmetic3A_32 = arith.constant 7 : i32
        %shift_right_arithmetic3A_33 = arith.shrsi %squeeze3A, %shift_right_arithmetic3A_32 : i32
        %mul3A_34 = arith.constant 128 : i32
        %mul3A_35 = arith.muli %shift_right_arithmetic3A_33, %mul3A_34 : i32
        %dma_start3A = arith.constant 0 : i32
        %dma_start3A_36 = arith.constant 0 : i32
        %dma_start3A_37 = arith.constant 0 : i32
        %dma_start3A_38 = tpu.memref_slice %arg6[%and3A_26, %dma_start3A, %dma_start3A_36, %dma_start3A_37] : memref<2x32x8x128xf32, #tpu.memory_space<vmem>> -> memref<1x1x8x128xf32, #tpu.memory_space<vmem>>
        %dma_start3A_39 = tpu.memref_squeeze %dma_start3A_38 : memref<1x1x8x128xf32, #tpu.memory_space<vmem>> -> memref<8x128xf32, #tpu.memory_space<vmem>>
        %dma_start3A_40 = tpu.memref_slice %arg3[%mul3A_4, %mul3A_35] : memref<64x1000000xf32, #tpu.memory_space<hbm>> -> memref<8x128xf32, #tpu.memory_space<hbm>>
        %dma_start3A_41 = arith.constant 0 : i32
        %dma_start3A_42 = arith.constant 0 : i32
        %dma_start3A_43 = tpu.memref_slice %arg6[%and3A_26, %dma_start3A, %dma_start3A_41, %dma_start3A_42] : memref<2x32x8x128xf32, #tpu.memory_space<vmem>> -> memref<1x1x8x128xf32, #tpu.memory_space<vmem>>
        %dma_start3A_44 = tpu.memref_squeeze %dma_start3A_43 : memref<1x1x8x128xf32, #tpu.memory_space<vmem>> -> memref<8x128xf32, #tpu.memory_space<vmem>>
        %dma_start3A_45 = tpu.memref_slice %arg3[%mul3A_4, %mul3A_35] : memref<64x1000000xf32, #tpu.memory_space<hbm>> -> memref<8x128xf32, #tpu.memory_space<hbm>>
        tpu.enqueue_dma source(%dma_start3A_45 : memref<8x128xf32, #tpu.memory_space<hbm>>) target(%dma_start3A_44 : memref<8x128xf32, #tpu.memory_space<vmem>>) target_semaphore(%arg8 : memref<!tpu.dma_semaphore, #tpu.memory_space<semaphore_mem>>)
        %slice3A_46 = vector.extract_strided_slice %get3A_31 {offsets = [1], sizes = [1], strides = [1]} : vector<16xi32> to vector<1xi32>
        %squeeze3A_47 = vector.extract %slice3A_46[0] : i32 from vector<1xi32>
        %shift_right_arithmetic3A_48 = arith.constant 7 : i32
        %shift_right_arithmetic3A_49 = arith.shrsi %squeeze3A_47, %shift_right_arithmetic3A_48 : i32
        %mul3A_50 = arith.constant 128 : i32
        %mul3A_51 = arith.muli %shift_right_arithmetic3A_49, %mul3A_50 : i32
        %dma_start3A_52 = arith.constant 1 : i32
        %dma_start3A_53 = arith.constant 0 : i32
        %dma_start3A_54 = arith.constant 0 : i32
        %dma_start3A_55 = tpu.memref_slice %arg6[%and3A_26, %dma_start3A_52, %dma_start3A_53, %dma_start3A_54] : memref<2x32x8x128xf32, #tpu.memory_space<vmem>> -> memref<1x1x8x128xf32, #tpu.memory_space<vmem>>
        %dma_start3A_56 = tpu.memref_squeeze %dma_start3A_55 : memref<1x1x8x128xf32, #tpu.memory_space<vmem>> -> memref<8x128xf32, #tpu.memory_space<vmem>>
        %dma_start3A_57 = tpu.memref_slice %arg3[%mul3A_4, %mul3A_51] : memref<64x1000000xf32, #tpu.memory_space<hbm>> -> memref<8x128xf32, #tpu.memory_space<hbm>>
        %dma_start3A_58 = arith.constant 0 : i32
        %dma_start3A_59 = arith.constant 0 : i32
        %dma_start3A_60 = tpu.memref_slice %arg6[%and3A_26, %dma_start3A_52, %dma_start3A_58, %dma_start3A_59] : memref<2x32x8x128xf32, #tpu.memory_space<vmem>> -> memref<1x1x8x128xf32, #tpu.memory_space<vmem>>
        %dma_start3A_61 = tpu.memref_squeeze %dma_start3A_60 : memref<1x1x8x128xf32, #tpu.memory_space<vmem>> -> memref<8x128xf32, #tpu.memory_space<vmem>>
        %dma_start3A_62 = tpu.memref_slice %arg3[%mul3A_4, %mul3A_51] : memref<64x1000000xf32, #tpu.memory_space<hbm>> -> memref<8x128xf32, #tpu.memory_space<hbm>>
        tpu.enqueue_dma source(%dma_start3A_62 : memref<8x128xf32, #tpu.memory_space<hbm>>) target(%dma_start3A_61 : memref<8x128xf32, #tpu.memory_space<vmem>>) target_semaphore(%arg8 : memref<!tpu.dma_semaphore, #tpu.memory_space<semaphore_mem>>)
        %slice3A_63 = vector.extract_strided_slice %get3A_31 {offsets = [2], sizes = [1], strides = [1]} : vector<16xi32> to vector<1xi32>
        %squeeze3A_64 = vector.extract %slice3A_63[0] : i32 from vector<1xi32>
        %shift_right_arithmetic3A_65 = arith.constant 7 : i32
        %shift_right_arithmetic3A_66 = arith.shrsi %squeeze3A_64, %shift_right_arithmetic3A_65 : i32
        %mul3A_67 = arith.constant 128 : i32
        %mul3A_68 = arith.muli %shift_right_arithmetic3A_66, %mul3A_67 : i32
        %dma_start3A_69 = arith.constant 2 : i32
        %dma_start3A_70 = arith.constant 0 : i32
        %dma_start3A_71 = arith.constant 0 : i32
        %dma_start3A_72 = tpu.memref_slice %arg6[%and3A_26, %dma_start3A_69, %dma_start3A_70, %dma_start3A_71] : memref<2x32x8x128xf32, #tpu.memory_space<vmem>> -> memref<1x1x8x128xf32, #tpu.memory_space<vmem>>
        %dma_start3A_73 = tpu.memref_squeeze %dma_start3A_72 : memref<1x1x8x128xf32, #tpu.memory_space<vmem>> -> memref<8x128xf32, #tpu.memory_space<vmem>>
        %dma_start3A_74 = tpu.memref_slice %arg3[%mul3A_4, %mul3A_68] : memref<64x1000000xf32, #tpu.memory_space<hbm>> -> memref<8x128xf32, #tpu.memory_space<hbm>>
        %dma_start3A_75 = arith.constant 0 : i32
        %dma_start3A_76 = arith.constant 0 : i32
        %dma_start3A_77 = tpu.memref_slice %arg6[%and3A_26, %dma_start3A_69, %dma_start3A_75, %dma_start3A_76] : memref<2x32x8x128xf32, #tpu.memory_space<vmem>> -> memref<1x1x8x128xf32, #tpu.memory_space<vmem>>
        %dma_start3A_78 = tpu.memref_squeeze %dma_start3A_77 : memref<1x1x8x128xf32, #tpu.memory_space<vmem>> -> memref<8x128xf32, #tpu.memory_space<vmem>>
        %dma_start3A_79 = tpu.memref_slice %arg3[%mul3A_4, %mul3A_68] : memref<64x1000000xf32, #tpu.memory_space<hbm>> -> memref<8x128xf32, #tpu.memory_space<hbm>>
        tpu.enqueue_dma source(%dma_start3A_79 : memref<8x128xf32, #tpu.memory_space<hbm>>) target(%dma_start3A_78 : memref<8x128xf32, #tpu.memory_space<vmem>>) target_semaphore(%arg8 : memref<!tpu.dma_semaphore, #tpu.memory_space<semaphore_mem>>)
        %slice3A_80 = vector.extract_strided_slice %get3A_31 {offsets = [3], sizes = [1], strides = [1]} : vector<16xi32> to vector<1xi32>
        %squeeze3A_81 = vector.extract %slice3A_80[0] : i32 from vector<1xi32>
        %shift_right_arithmetic3A_82 = arith.constant 7 : i32
        %shift_right_arithmetic3A_83 = arith.shrsi %squeeze3A_81, %shift_right_arithmetic3A_82 : i32
        %mul3A_84 = arith.constant 128 : i32
        %mul3A_85 = arith.muli %shift_right_arithmetic3A_83, %mul3A_84 : i32
        %dma_start3A_86 = arith.constant 3 : i32
        %dma_start3A_87 = arith.constant 0 : i32
        %dma_start3A_88 = arith.constant 0 : i32
        %dma_start3A_89 = tpu.memref_slice %arg6[%and3A_26, %dma_start3A_86, %dma_start3A_87, %dma_start3A_88] : memref<2x32x8x128xf32, #tpu.memory_space<vmem>> -> memref<1x1x8x128xf32, #tpu.memory_space<vmem>>
        %dma_start3A_90 = tpu.memref_squeeze %dma_start3A_89 : memref<1x1x8x128xf32, #tpu.memory_space<vmem>> -> memref<8x128xf32, #tpu.memory_space<vmem>>
        %dma_start3A_91 = tpu.memref_slice %arg3[%mul3A_4, %mul3A_85] : memref<64x1000000xf32, #tpu.memory_space<hbm>> -> memref<8x128xf32, #tpu.memory_space<hbm>>
        %dma_start3A_92 = arith.constant 0 : i32
        %dma_start3A_93 = arith.constant 0 : i32
        %dma_start3A_94 = tpu.memref_slice %arg6[%and3A_26, %dma_start3A_86, %dma_start3A_92, %dma_start3A_93] : memref<2x32x8x128xf32, #tpu.memory_space<vmem>> -> memref<1x1x8x128xf32, #tpu.memory_space<vmem>>
        %dma_start3A_95 = tpu.memref_squeeze %dma_start3A_94 : memref<1x1x8x128xf32, #tpu.memory_space<vmem>> -> memref<8x128xf32, #tpu.memory_space<vmem>>
        %dma_start3A_96 = tpu.memref_slice %arg3[%mul3A_4, %mul3A_85] : memref<64x1000000xf32, #tpu.memory_space<hbm>> -> memref<8x128xf32, #tpu.memory_space<hbm>>
        tpu.enqueue_dma source(%dma_start3A_96 : memref<8x128xf32, #tpu.memory_space<hbm>>) target(%dma_start3A_95 : memref<8x128xf32, #tpu.memory_space<vmem>>) target_semaphore(%arg8 : memref<!tpu.dma_semaphore, #tpu.memory_space<semaphore_mem>>)
        %slice3A_97 = vector.extract_strided_slice %get3A_31 {offsets = [4], sizes = [1], strides = [1]} : vector<16xi32> to vector<1xi32>
        %squeeze3A_98 = vector.extract %slice3A_97[0] : i32 from vector<1xi32>
        %shift_right_arithmetic3A_99 = arith.constant 7 : i32
        %shift_right_arithmetic3A_100 = arith.shrsi %squeeze3A_98, %shift_right_arithmetic3A_99 : i32
        %mul3A_101 = arith.constant 128 : i32
        %mul3A_102 = arith.muli %shift_right_arithmetic3A_100, %mul3A_101 : i32
        %dma_start3A_103 = arith.constant 4 : i32
        %dma_start3A_104 = arith.constant 0 : i32
        %dma_start3A_105 = arith.constant 0 : i32
        %dma_start3A_106 = tpu.memref_slice %arg6[%and3A_26, %dma_start3A_103, %dma_start3A_104, %dma_start3A_105] : memref<2x32x8x128xf32, #tpu.memory_space<vmem>> -> memref<1x1x8x128xf32, #tpu.memory_space<vmem>>
        %dma_start3A_107 = tpu.memref_squeeze %dma_start3A_106 : memref<1x1x8x128xf32, #tpu.memory_space<vmem>> -> memref<8x128xf32, #tpu.memory_space<vmem>>
        %dma_start3A_108 = tpu.memref_slice %arg3[%mul3A_4, %mul3A_102] : memref<64x1000000xf32, #tpu.memory_space<hbm>> -> memref<8x128xf32, #tpu.memory_space<hbm>>
        %dma_start3A_109 = arith.constant 0 : i32
        %dma_start3A_110 = arith.constant 0 : i32
        %dma_start3A_111 = tpu.memref_slice %arg6[%and3A_26, %dma_start3A_103, %dma_start3A_109, %dma_start3A_110] : memref<2x32x8x128xf32, #tpu.memory_space<vmem>> -> memref<1x1x8x128xf32, #tpu.memory_space<vmem>>
        %dma_start3A_112 = tpu.memref_squeeze %dma_start3A_111 : memref<1x1x8x128xf32, #tpu.memory_space<vmem>> -> memref<8x128xf32, #tpu.memory_space<vmem>>
        %dma_start3A_113 = tpu.memref_slice %arg3[%mul3A_4, %mul3A_102] : memref<64x1000000xf32, #tpu.memory_space<hbm>> -> memref<8x128xf32, #tpu.memory_space<hbm>>
        tpu.enqueue_dma source(%dma_start3A_113 : memref<8x128xf32, #tpu.memory_space<hbm>>) target(%dma_start3A_112 : memref<8x128xf32, #tpu.memory_space<vmem>>) target_semaphore(%arg8 : memref<!tpu.dma_semaphore, #tpu.memory_space<semaphore_mem>>)
        %slice3A_114 = vector.extract_strided_slice %get3A_31 {offsets = [5], sizes = [1], strides = [1]} : vector<16xi32> to vector<1xi32>
        %squeeze3A_115 = vector.extract %slice3A_114[0] : i32 from vector<1xi32>
        %shift_right_arithmetic3A_116 = arith.constant 7 : i32
        %shift_right_arithmetic3A_117 = arith.shrsi %squeeze3A_115, %shift_right_arithmetic3A_116 : i32
        %mul3A_118 = arith.constant 128 : i32
        %mul3A_119 = arith.muli %shift_right_arithmetic3A_117, %mul3A_118 : i32
        %dma_start3A_120 = arith.constant 5 : i32
        %dma_start3A_121 = arith.constant 0 : i32
        %dma_start3A_122 = arith.constant 0 : i32
        %dma_start3A_123 = tpu.memref_slice %arg6[%and3A_26, %dma_start3A_120, %dma_start3A_121, %dma_start3A_122] : memref<2x32x8x128xf32, #tpu.memory_space<vmem>> -> memref<1x1x8x128xf32, #tpu.memory_space<vmem>>
        %dma_start3A_124 = tpu.memref_squeeze %dma_start3A_123 : memref<1x1x8x128xf32, #tpu.memory_space<vmem>> -> memref<8x128xf32, #tpu.memory_space<vmem>>
        %dma_start3A_125 = tpu.memref_slice %arg3[%mul3A_4, %mul3A_119] : memref<64x1000000xf32, #tpu.memory_space<hbm>> -> memref<8x128xf32, #tpu.memory_space<hbm>>
        %dma_start3A_126 = arith.constant 0 : i32
        %dma_start3A_127 = arith.constant 0 : i32
        %dma_start3A_128 = tpu.memref_slice %arg6[%and3A_26, %dma_start3A_120, %dma_start3A_126, %dma_start3A_127] : memref<2x32x8x128xf32, #tpu.memory_space<vmem>> -> memref<1x1x8x128xf32, #tpu.memory_space<vmem>>
        %dma_start3A_129 = tpu.memref_squeeze %dma_start3A_128 : memref<1x1x8x128xf32, #tpu.memory_space<vmem>> -> memref<8x128xf32, #tpu.memory_space<vmem>>
        %dma_start3A_130 = tpu.memref_slice %arg3[%mul3A_4, %mul3A_119] : memref<64x1000000xf32, #tpu.memory_space<hbm>> -> memref<8x128xf32, #tpu.memory_space<hbm>>
        tpu.enqueue_dma source(%dma_start3A_130 : memref<8x128xf32, #tpu.memory_space<hbm>>) target(%dma_start3A_129 : memref<8x128xf32, #tpu.memory_space<vmem>>) target_semaphore(%arg8 : memref<!tpu.dma_semaphore, #tpu.memory_space<semaphore_mem>>)
        %slice3A_131 = vector.extract_strided_slice %get3A_31 {offsets = [6], sizes = [1], strides = [1]} : vector<16xi32> to vector<1xi32>
        %squeeze3A_132 = vector.extract %slice3A_131[0] : i32 from vector<1xi32>
        %shift_right_arithmetic3A_133 = arith.constant 7 : i32
        %shift_right_arithmetic3A_134 = arith.shrsi %squeeze3A_132, %shift_right_arithmetic3A_133 : i32
        %mul3A_135 = arith.constant 128 : i32
        %mul3A_136 = arith.muli %shift_right_arithmetic3A_134, %mul3A_135 : i32
        %dma_start3A_137 = arith.constant 6 : i32
        %dma_start3A_138 = arith.constant 0 : i32
        %dma_start3A_139 = arith.constant 0 : i32
        %dma_start3A_140 = tpu.memref_slice %arg6[%and3A_26, %dma_start3A_137, %dma_start3A_138, %dma_start3A_139] : memref<2x32x8x128xf32, #tpu.memory_space<vmem>> -> memref<1x1x8x128xf32, #tpu.memory_space<vmem>>
        %dma_start3A_141 = tpu.memref_squeeze %dma_start3A_140 : memref<1x1x8x128xf32, #tpu.memory_space<vmem>> -> memref<8x128xf32, #tpu.memory_space<vmem>>
        %dma_start3A_142 = tpu.memref_slice %arg3[%mul3A_4, %mul3A_136] : memref<64x1000000xf32, #tpu.memory_space<hbm>> -> memref<8x128xf32, #tpu.memory_space<hbm>>
        %dma_start3A_143 = arith.constant 0 : i32
        %dma_start3A_144 = arith.constant 0 : i32
        %dma_start3A_145 = tpu.memref_slice %arg6[%and3A_26, %dma_start3A_137, %dma_start3A_143, %dma_start3A_144] : memref<2x32x8x128xf32, #tpu.memory_space<vmem>> -> memref<1x1x8x128xf32, #tpu.memory_space<vmem>>
        %dma_start3A_146 = tpu.memref_squeeze %dma_start3A_145 : memref<1x1x8x128xf32, #tpu.memory_space<vmem>> -> memref<8x128xf32, #tpu.memory_space<vmem>>
        %dma_start3A_147 = tpu.memref_slice %arg3[%mul3A_4, %mul3A_136] : memref<64x1000000xf32, #tpu.memory_space<hbm>> -> memref<8x128xf32, #tpu.memory_space<hbm>>
        tpu.enqueue_dma source(%dma_start3A_147 : memref<8x128xf32, #tpu.memory_space<hbm>>) target(%dma_start3A_146 : memref<8x128xf32, #tpu.memory_space<vmem>>) target_semaphore(%arg8 : memref<!tpu.dma_semaphore, #tpu.memory_space<semaphore_mem>>)
        %slice3A_148 = vector.extract_strided_slice %get3A_31 {offsets = [7], sizes = [1], strides = [1]} : vector<16xi32> to vector<1xi32>
        %squeeze3A_149 = vector.extract %slice3A_148[0] : i32 from vector<1xi32>
        %shift_right_arithmetic3A_150 = arith.constant 7 : i32
        %shift_right_arithmetic3A_151 = arith.shrsi %squeeze3A_149, %shift_right_arithmetic3A_150 : i32
        %mul3A_152 = arith.constant 128 : i32
        %mul3A_153 = arith.muli %shift_right_arithmetic3A_151, %mul3A_152 : i32
        %dma_start3A_154 = arith.constant 7 : i32
        %dma_start3A_155 = arith.constant 0 : i32
        %dma_start3A_156 = arith.constant 0 : i32
        %dma_start3A_157 = tpu.memref_slice %arg6[%and3A_26, %dma_start3A_154, %dma_start3A_155, %dma_start3A_156] : memref<2x32x8x128xf32, #tpu.memory_space<vmem>> -> memref<1x1x8x128xf32, #tpu.memory_space<vmem>>
        %dma_start3A_158 = tpu.memref_squeeze %dma_start3A_157 : memref<1x1x8x128xf32, #tpu.memory_space<vmem>> -> memref<8x128xf32, #tpu.memory_space<vmem>>
        %dma_start3A_159 = tpu.memref_slice %arg3[%mul3A_4, %mul3A_153] : memref<64x1000000xf32, #tpu.memory_space<hbm>> -> memref<8x128xf32, #tpu.memory_space<hbm>>
        %dma_start3A_160 = arith.constant 0 : i32
        %dma_start3A_161 = arith.constant 0 : i32
        %dma_start3A_162 = tpu.memref_slice %arg6[%and3A_26, %dma_start3A_154, %dma_start3A_160, %dma_start3A_161] : memref<2x32x8x128xf32, #tpu.memory_space<vmem>> -> memref<1x1x8x128xf32, #tpu.memory_space<vmem>>
        %dma_start3A_163 = tpu.memref_squeeze %dma_start3A_162 : memref<1x1x8x128xf32, #tpu.memory_space<vmem>> -> memref<8x128xf32, #tpu.memory_space<vmem>>
        %dma_start3A_164 = tpu.memref_slice %arg3[%mul3A_4, %mul3A_153] : memref<64x1000000xf32, #tpu.memory_space<hbm>> -> memref<8x128xf32, #tpu.memory_space<hbm>>
        tpu.enqueue_dma source(%dma_start3A_164 : memref<8x128xf32, #tpu.memory_space<hbm>>) target(%dma_start3A_163 : memref<8x128xf32, #tpu.memory_space<vmem>>) target_semaphore(%arg8 : memref<!tpu.dma_semaphore, #tpu.memory_space<semaphore_mem>>)
        %slice3A_165 = vector.extract_strided_slice %get3A_31 {offsets = [8], sizes = [1], strides = [1]} : vector<16xi32> to vector<1xi32>
        %squeeze3A_166 = vector.extract %slice3A_165[0] : i32 from vector<1xi32>
        %shift_right_arithmetic3A_167 = arith.constant 7 : i32
        %shift_right_arithmetic3A_168 = arith.shrsi %squeeze3A_166, %shift_right_arithmetic3A_167 : i32
        %mul3A_169 = arith.constant 128 : i32
        %mul3A_170 = arith.muli %shift_right_arithmetic3A_168, %mul3A_169 : i32
        %dma_start3A_171 = arith.constant 8 : i32
        %dma_start3A_172 = arith.constant 0 : i32
        %dma_start3A_173 = arith.constant 0 : i32
        %dma_start3A_174 = tpu.memref_slice %arg6[%and3A_26, %dma_start3A_171, %dma_start3A_172, %dma_start3A_173] : memref<2x32x8x128xf32, #tpu.memory_space<vmem>> -> memref<1x1x8x128xf32, #tpu.memory_space<vmem>>
        %dma_start3A_175 = tpu.memref_squeeze %dma_start3A_174 : memref<1x1x8x128xf32, #tpu.memory_space<vmem>> -> memref<8x128xf32, #tpu.memory_space<vmem>>
        %dma_start3A_176 = tpu.memref_slice %arg3[%mul3A_4, %mul3A_170] : memref<64x1000000xf32, #tpu.memory_space<hbm>> -> memref<8x128xf32, #tpu.memory_space<hbm>>
        %dma_start3A_177 = arith.constant 0 : i32
        %dma_start3A_178 = arith.constant 0 : i32
        %dma_start3A_179 = tpu.memref_slice %arg6[%and3A_26, %dma_start3A_171, %dma_start3A_177, %dma_start3A_178] : memref<2x32x8x128xf32, #tpu.memory_space<vmem>> -> memref<1x1x8x128xf32, #tpu.memory_space<vmem>>
        %dma_start3A_180 = tpu.memref_squeeze %dma_start3A_179 : memref<1x1x8x128xf32, #tpu.memory_space<vmem>> -> memref<8x128xf32, #tpu.memory_space<vmem>>
        %dma_start3A_181 = tpu.memref_slice %arg3[%mul3A_4, %mul3A_170] : memref<64x1000000xf32, #tpu.memory_space<hbm>> -> memref<8x128xf32, #tpu.memory_space<hbm>>
        tpu.enqueue_dma source(%dma_start3A_181 : memref<8x128xf32, #tpu.memory_space<hbm>>) target(%dma_start3A_180 : memref<8x128xf32, #tpu.memory_space<vmem>>) target_semaphore(%arg8 : memref<!tpu.dma_semaphore, #tpu.memory_space<semaphore_mem>>)
        %slice3A_182 = vector.extract_strided_slice %get3A_31 {offsets = [9], sizes = [1], strides = [1]} : vector<16xi32> to vector<1xi32>
        %squeeze3A_183 = vector.extract %slice3A_182[0] : i32 from vector<1xi32>
        %shift_right_arithmetic3A_184 = arith.constant 7 : i32
        %shift_right_arithmetic3A_185 = arith.shrsi %squeeze3A_183, %shift_right_arithmetic3A_184 : i32
        %mul3A_186 = arith.constant 128 : i32
        %mul3A_187 = arith.muli %shift_right_arithmetic3A_185, %mul3A_186 : i32
        %dma_start3A_188 = arith.constant 9 : i32
        %dma_start3A_189 = arith.constant 0 : i32
        %dma_start3A_190 = arith.constant 0 : i32
        %dma_start3A_191 = tpu.memref_slice %arg6[%and3A_26, %dma_start3A_188, %dma_start3A_189, %dma_start3A_190] : memref<2x32x8x128xf32, #tpu.memory_space<vmem>> -> memref<1x1x8x128xf32, #tpu.memory_space<vmem>>
        %dma_start3A_192 = tpu.memref_squeeze %dma_start3A_191 : memref<1x1x8x128xf32, #tpu.memory_space<vmem>> -> memref<8x128xf32, #tpu.memory_space<vmem>>
        %dma_start3A_193 = tpu.memref_slice %arg3[%mul3A_4, %mul3A_187] : memref<64x1000000xf32, #tpu.memory_space<hbm>> -> memref<8x128xf32, #tpu.memory_space<hbm>>
        %dma_start3A_194 = arith.constant 0 : i32
        %dma_start3A_195 = arith.constant 0 : i32
        %dma_start3A_196 = tpu.memref_slice %arg6[%and3A_26, %dma_start3A_188, %dma_start3A_194, %dma_start3A_195] : memref<2x32x8x128xf32, #tpu.memory_space<vmem>> -> memref<1x1x8x128xf32, #tpu.memory_space<vmem>>
        %dma_start3A_197 = tpu.memref_squeeze %dma_start3A_196 : memref<1x1x8x128xf32, #tpu.memory_space<vmem>> -> memref<8x128xf32, #tpu.memory_space<vmem>>
        %dma_start3A_198 = tpu.memref_slice %arg3[%mul3A_4, %mul3A_187] : memref<64x1000000xf32, #tpu.memory_space<hbm>> -> memref<8x128xf32, #tpu.memory_space<hbm>>
        tpu.enqueue_dma source(%dma_start3A_198 : memref<8x128xf32, #tpu.memory_space<hbm>>) target(%dma_start3A_197 : memref<8x128xf32, #tpu.memory_space<vmem>>) target_semaphore(%arg8 : memref<!tpu.dma_semaphore, #tpu.memory_space<semaphore_mem>>)
        %slice3A_199 = vector.extract_strided_slice %get3A_31 {offsets = [10], sizes = [1], strides = [1]} : vector<16xi32> to vector<1xi32>
        %squeeze3A_200 = vector.extract %slice3A_199[0] : i32 from vector<1xi32>
        %shift_right_arithmetic3A_201 = arith.constant 7 : i32
        %shift_right_arithmetic3A_202 = arith.shrsi %squeeze3A_200, %shift_right_arithmetic3A_201 : i32
        %mul3A_203 = arith.constant 128 : i32
        %mul3A_204 = arith.muli %shift_right_arithmetic3A_202, %mul3A_203 : i32
        %dma_start3A_205 = arith.constant 10 : i32
        %dma_start3A_206 = arith.constant 0 : i32
        %dma_start3A_207 = arith.constant 0 : i32
        %dma_start3A_208 = tpu.memref_slice %arg6[%and3A_26, %dma_start3A_205, %dma_start3A_206, %dma_start3A_207] : memref<2x32x8x128xf32, #tpu.memory_space<vmem>> -> memref<1x1x8x128xf32, #tpu.memory_space<vmem>>
        %dma_start3A_209 = tpu.memref_squeeze %dma_start3A_208 : memref<1x1x8x128xf32, #tpu.memory_space<vmem>> -> memref<8x128xf32, #tpu.memory_space<vmem>>
        %dma_start3A_210 = tpu.memref_slice %arg3[%mul3A_4, %mul3A_204] : memref<64x1000000xf32, #tpu.memory_space<hbm>> -> memref<8x128xf32, #tpu.memory_space<hbm>>
        %dma_start3A_211 = arith.constant 0 : i32
        %dma_start3A_212 = arith.constant 0 : i32
        %dma_start3A_213 = tpu.memref_slice %arg6[%and3A_26, %dma_start3A_205, %dma_start3A_211, %dma_start3A_212] : memref<2x32x8x128xf32, #tpu.memory_space<vmem>> -> memref<1x1x8x128xf32, #tpu.memory_space<vmem>>
        %dma_start3A_214 = tpu.memref_squeeze %dma_start3A_213 : memref<1x1x8x128xf32, #tpu.memory_space<vmem>> -> memref<8x128xf32, #tpu.memory_space<vmem>>
        %dma_start3A_215 = tpu.memref_slice %arg3[%mul3A_4, %mul3A_204] : memref<64x1000000xf32, #tpu.memory_space<hbm>> -> memref<8x128xf32, #tpu.memory_space<hbm>>
        tpu.enqueue_dma source(%dma_start3A_215 : memref<8x128xf32, #tpu.memory_space<hbm>>) target(%dma_start3A_214 : memref<8x128xf32, #tpu.memory_space<vmem>>) target_semaphore(%arg8 : memref<!tpu.dma_semaphore, #tpu.memory_space<semaphore_mem>>)
        %slice3A_216 = vector.extract_strided_slice %get3A_31 {offsets = [11], sizes = [1], strides = [1]} : vector<16xi32> to vector<1xi32>
        %squeeze3A_217 = vector.extract %slice3A_216[0] : i32 from vector<1xi32>
        %shift_right_arithmetic3A_218 = arith.constant 7 : i32
        %shift_right_arithmetic3A_219 = arith.shrsi %squeeze3A_217, %shift_right_arithmetic3A_218 : i32
        %mul3A_220 = arith.constant 128 : i32
        %mul3A_221 = arith.muli %shift_right_arithmetic3A_219, %mul3A_220 : i32
        %dma_start3A_222 = arith.constant 11 : i32
        %dma_start3A_223 = arith.constant 0 : i32
        %dma_start3A_224 = arith.constant 0 : i32
        %dma_start3A_225 = tpu.memref_slice %arg6[%and3A_26, %dma_start3A_222, %dma_start3A_223, %dma_start3A_224] : memref<2x32x8x128xf32, #tpu.memory_space<vmem>> -> memref<1x1x8x128xf32, #tpu.memory_space<vmem>>
        %dma_start3A_226 = tpu.memref_squeeze %dma_start3A_225 : memref<1x1x8x128xf32, #tpu.memory_space<vmem>> -> memref<8x128xf32, #tpu.memory_space<vmem>>
        %dma_start3A_227 = tpu.memref_slice %arg3[%mul3A_4, %mul3A_221] : memref<64x1000000xf32, #tpu.memory_space<hbm>> -> memref<8x128xf32, #tpu.memory_space<hbm>>
        %dma_start3A_228 = arith.constant 0 : i32
        %dma_start3A_229 = arith.constant 0 : i32
        %dma_start3A_230 = tpu.memref_slice %arg6[%and3A_26, %dma_start3A_222, %dma_start3A_228, %dma_start3A_229] : memref<2x32x8x128xf32, #tpu.memory_space<vmem>> -> memref<1x1x8x128xf32, #tpu.memory_space<vmem>>
        %dma_start3A_231 = tpu.memref_squeeze %dma_start3A_230 : memref<1x1x8x128xf32, #tpu.memory_space<vmem>> -> memref<8x128xf32, #tpu.memory_space<vmem>>
        %dma_start3A_232 = tpu.memref_slice %arg3[%mul3A_4, %mul3A_221] : memref<64x1000000xf32, #tpu.memory_space<hbm>> -> memref<8x128xf32, #tpu.memory_space<hbm>>
        tpu.enqueue_dma source(%dma_start3A_232 : memref<8x128xf32, #tpu.memory_space<hbm>>) target(%dma_start3A_231 : memref<8x128xf32, #tpu.memory_space<vmem>>) target_semaphore(%arg8 : memref<!tpu.dma_semaphore, #tpu.memory_space<semaphore_mem>>)
        %slice3A_233 = vector.extract_strided_slice %get3A_31 {offsets = [12], sizes = [1], strides = [1]} : vector<16xi32> to vector<1xi32>
        %squeeze3A_234 = vector.extract %slice3A_233[0] : i32 from vector<1xi32>
        %shift_right_arithmetic3A_235 = arith.constant 7 : i32
        %shift_right_arithmetic3A_236 = arith.shrsi %squeeze3A_234, %shift_right_arithmetic3A_235 : i32
        %mul3A_237 = arith.constant 128 : i32
        %mul3A_238 = arith.muli %shift_right_arithmetic3A_236, %mul3A_237 : i32
        %dma_start3A_239 = arith.constant 12 : i32
        %dma_start3A_240 = arith.constant 0 : i32
        %dma_start3A_241 = arith.constant 0 : i32
        %dma_start3A_242 = tpu.memref_slice %arg6[%and3A_26, %dma_start3A_239, %dma_start3A_240, %dma_start3A_241] : memref<2x32x8x128xf32, #tpu.memory_space<vmem>> -> memref<1x1x8x128xf32, #tpu.memory_space<vmem>>
        %dma_start3A_243 = tpu.memref_squeeze %dma_start3A_242 : memref<1x1x8x128xf32, #tpu.memory_space<vmem>> -> memref<8x128xf32, #tpu.memory_space<vmem>>
        %dma_start3A_244 = tpu.memref_slice %arg3[%mul3A_4, %mul3A_238] : memref<64x1000000xf32, #tpu.memory_space<hbm>> -> memref<8x128xf32, #tpu.memory_space<hbm>>
        %dma_start3A_245 = arith.constant 0 : i32
        %dma_start3A_246 = arith.constant 0 : i32
        %dma_start3A_247 = tpu.memref_slice %arg6[%and3A_26, %dma_start3A_239, %dma_start3A_245, %dma_start3A_246] : memref<2x32x8x128xf32, #tpu.memory_space<vmem>> -> memref<1x1x8x128xf32, #tpu.memory_space<vmem>>
        %dma_start3A_248 = tpu.memref_squeeze %dma_start3A_247 : memref<1x1x8x128xf32, #tpu.memory_space<vmem>> -> memref<8x128xf32, #tpu.memory_space<vmem>>
        %dma_start3A_249 = tpu.memref_slice %arg3[%mul3A_4, %mul3A_238] : memref<64x1000000xf32, #tpu.memory_space<hbm>> -> memref<8x128xf32, #tpu.memory_space<hbm>>
        tpu.enqueue_dma source(%dma_start3A_249 : memref<8x128xf32, #tpu.memory_space<hbm>>) target(%dma_start3A_248 : memref<8x128xf32, #tpu.memory_space<vmem>>) target_semaphore(%arg8 : memref<!tpu.dma_semaphore, #tpu.memory_space<semaphore_mem>>)
        %slice3A_250 = vector.extract_strided_slice %get3A_31 {offsets = [13], sizes = [1], strides = [1]} : vector<16xi32> to vector<1xi32>
        %squeeze3A_251 = vector.extract %slice3A_250[0] : i32 from vector<1xi32>
        %shift_right_arithmetic3A_252 = arith.constant 7 : i32
        %shift_right_arithmetic3A_253 = arith.shrsi %squeeze3A_251, %shift_right_arithmetic3A_252 : i32
        %mul3A_254 = arith.constant 128 : i32
        %mul3A_255 = arith.muli %shift_right_arithmetic3A_253, %mul3A_254 : i32
        %dma_start3A_256 = arith.constant 13 : i32
        %dma_start3A_257 = arith.constant 0 : i32
        %dma_start3A_258 = arith.constant 0 : i32
        %dma_start3A_259 = tpu.memref_slice %arg6[%and3A_26, %dma_start3A_256, %dma_start3A_257, %dma_start3A_258] : memref<2x32x8x128xf32, #tpu.memory_space<vmem>> -> memref<1x1x8x128xf32, #tpu.memory_space<vmem>>
        %dma_start3A_260 = tpu.memref_squeeze %dma_start3A_259 : memref<1x1x8x128xf32, #tpu.memory_space<vmem>> -> memref<8x128xf32, #tpu.memory_space<vmem>>
        %dma_start3A_261 = tpu.memref_slice %arg3[%mul3A_4, %mul3A_255] : memref<64x1000000xf32, #tpu.memory_space<hbm>> -> memref<8x128xf32, #tpu.memory_space<hbm>>
        %dma_start3A_262 = arith.constant 0 : i32
        %dma_start3A_263 = arith.constant 0 : i32
        %dma_start3A_264 = tpu.memref_slice %arg6[%and3A_26, %dma_start3A_256, %dma_start3A_262, %dma_start3A_263] : memref<2x32x8x128xf32, #tpu.memory_space<vmem>> -> memref<1x1x8x128xf32, #tpu.memory_space<vmem>>
        %dma_start3A_265 = tpu.memref_squeeze %dma_start3A_264 : memref<1x1x8x128xf32, #tpu.memory_space<vmem>> -> memref<8x128xf32, #tpu.memory_space<vmem>>
        %dma_start3A_266 = tpu.memref_slice %arg3[%mul3A_4, %mul3A_255] : memref<64x1000000xf32, #tpu.memory_space<hbm>> -> memref<8x128xf32, #tpu.memory_space<hbm>>
        tpu.enqueue_dma source(%dma_start3A_266 : memref<8x128xf32, #tpu.memory_space<hbm>>) target(%dma_start3A_265 : memref<8x128xf32, #tpu.memory_space<vmem>>) target_semaphore(%arg8 : memref<!tpu.dma_semaphore, #tpu.memory_space<semaphore_mem>>)
        %slice3A_267 = vector.extract_strided_slice %get3A_31 {offsets = [14], sizes = [1], strides = [1]} : vector<16xi32> to vector<1xi32>
        %squeeze3A_268 = vector.extract %slice3A_267[0] : i32 from vector<1xi32>
        %shift_right_arithmetic3A_269 = arith.constant 7 : i32
        %shift_right_arithmetic3A_270 = arith.shrsi %squeeze3A_268, %shift_right_arithmetic3A_269 : i32
        %mul3A_271 = arith.constant 128 : i32
        %mul3A_272 = arith.muli %shift_right_arithmetic3A_270, %mul3A_271 : i32
        %dma_start3A_273 = arith.constant 14 : i32
        %dma_start3A_274 = arith.constant 0 : i32
        %dma_start3A_275 = arith.constant 0 : i32
        %dma_start3A_276 = tpu.memref_slice %arg6[%and3A_26, %dma_start3A_273, %dma_start3A_274, %dma_start3A_275] : memref<2x32x8x128xf32, #tpu.memory_space<vmem>> -> memref<1x1x8x128xf32, #tpu.memory_space<vmem>>
        %dma_start3A_277 = tpu.memref_squeeze %dma_start3A_276 : memref<1x1x8x128xf32, #tpu.memory_space<vmem>> -> memref<8x128xf32, #tpu.memory_space<vmem>>
        %dma_start3A_278 = tpu.memref_slice %arg3[%mul3A_4, %mul3A_272] : memref<64x1000000xf32, #tpu.memory_space<hbm>> -> memref<8x128xf32, #tpu.memory_space<hbm>>
        %dma_start3A_279 = arith.constant 0 : i32
        %dma_start3A_280 = arith.constant 0 : i32
        %dma_start3A_281 = tpu.memref_slice %arg6[%and3A_26, %dma_start3A_273, %dma_start3A_279, %dma_start3A_280] : memref<2x32x8x128xf32, #tpu.memory_space<vmem>> -> memref<1x1x8x128xf32, #tpu.memory_space<vmem>>
        %dma_start3A_282 = tpu.memref_squeeze %dma_start3A_281 : memref<1x1x8x128xf32, #tpu.memory_space<vmem>> -> memref<8x128xf32, #tpu.memory_space<vmem>>
        %dma_start3A_283 = tpu.memref_slice %arg3[%mul3A_4, %mul3A_272] : memref<64x1000000xf32, #tpu.memory_space<hbm>> -> memref<8x128xf32, #tpu.memory_space<hbm>>
        tpu.enqueue_dma source(%dma_start3A_283 : memref<8x128xf32, #tpu.memory_space<hbm>>) target(%dma_start3A_282 : memref<8x128xf32, #tpu.memory_space<vmem>>) target_semaphore(%arg8 : memref<!tpu.dma_semaphore, #tpu.memory_space<semaphore_mem>>)
        %slice3A_284 = vector.extract_strided_slice %get3A_31 {offsets = [15], sizes = [1], strides = [1]} : vector<16xi32> to vector<1xi32>
        %squeeze3A_285 = vector.extract %slice3A_284[0] : i32 from vector<1xi32>
        %shift_right_arithmetic3A_286 = arith.constant 7 : i32
        %shift_right_arithmetic3A_287 = arith.shrsi %squeeze3A_285, %shift_right_arithmetic3A_286 : i32
        %mul3A_288 = arith.constant 128 : i32
        %mul3A_289 = arith.muli %shift_right_arithmetic3A_287, %mul3A_288 : i32
        %dma_start3A_290 = arith.constant 15 : i32
        %dma_start3A_291 = arith.constant 0 : i32
        %dma_start3A_292 = arith.constant 0 : i32
        %dma_start3A_293 = tpu.memref_slice %arg6[%and3A_26, %dma_start3A_290, %dma_start3A_291, %dma_start3A_292] : memref<2x32x8x128xf32, #tpu.memory_space<vmem>> -> memref<1x1x8x128xf32, #tpu.memory_space<vmem>>
        %dma_start3A_294 = tpu.memref_squeeze %dma_start3A_293 : memref<1x1x8x128xf32, #tpu.memory_space<vmem>> -> memref<8x128xf32, #tpu.memory_space<vmem>>
        %dma_start3A_295 = tpu.memref_slice %arg3[%mul3A_4, %mul3A_289] : memref<64x1000000xf32, #tpu.memory_space<hbm>> -> memref<8x128xf32, #tpu.memory_space<hbm>>
        %dma_start3A_296 = arith.constant 0 : i32
        %dma_start3A_297 = arith.constant 0 : i32
        %dma_start3A_298 = tpu.memref_slice %arg6[%and3A_26, %dma_start3A_290, %dma_start3A_296, %dma_start3A_297] : memref<2x32x8x128xf32, #tpu.memory_space<vmem>> -> memref<1x1x8x128xf32, #tpu.memory_space<vmem>>
        %dma_start3A_299 = tpu.memref_squeeze %dma_start3A_298 : memref<1x1x8x128xf32, #tpu.memory_space<vmem>> -> memref<8x128xf32, #tpu.memory_space<vmem>>
        %dma_start3A_300 = tpu.memref_slice %arg3[%mul3A_4, %mul3A_289] : memref<64x1000000xf32, #tpu.memory_space<hbm>> -> memref<8x128xf32, #tpu.memory_space<hbm>>
        tpu.enqueue_dma source(%dma_start3A_300 : memref<8x128xf32, #tpu.memory_space<hbm>>) target(%dma_start3A_299 : memref<8x128xf32, #tpu.memory_space<vmem>>) target_semaphore(%arg8 : memref<!tpu.dma_semaphore, #tpu.memory_space<semaphore_mem>>)
        %mul3A_301 = arith.constant 32 : i32
        %mul3A_302 = arith.muli %scan3A_17, %mul3A_301 : i32
        %add3A_303 = arith.constant 16 : i32
        %add3A_304 = arith.addi %mul3A_302, %add3A_303 : i32
        %get3A_305 = arith.index_cast %add3A_304 : i32 to index
        %get3A_306 = tpu.vector_load %arg5[%get3A_305] {strides = array<i32>} : memref<4096xi32, #tpu.memory_space<vmem>>, vector<16xi32>,
        %slice3A_307 = vector.extract_strided_slice %get3A_306 {offsets = [0], sizes = [1], strides = [1]} : vector<16xi32> to vector<1xi32>
        %squeeze3A_308 = vector.extract %slice3A_307[0] : i32 from vector<1xi32>
        %shift_right_arithmetic3A_309 = arith.constant 7 : i32
        %shift_right_arithmetic3A_310 = arith.shrsi %squeeze3A_308, %shift_right_arithmetic3A_309 : i32
        %mul3A_311 = arith.constant 128 : i32
        %mul3A_312 = arith.muli %shift_right_arithmetic3A_310, %mul3A_311 : i32
        %dma_start3A_313 = arith.constant 16 : i32
        %dma_start3A_314 = arith.constant 0 : i32
        %dma_start3A_315 = arith.constant 0 : i32
        %dma_start3A_316 = tpu.memref_slice %arg6[%and3A_26, %dma_start3A_313, %dma_start3A_314, %dma_start3A_315] : memref<2x32x8x128xf32, #tpu.memory_space<vmem>> -> memref<1x1x8x128xf32, #tpu.memory_space<vmem>>
        %dma_start3A_317 = tpu.memref_squeeze %dma_start3A_316 : memref<1x1x8x128xf32, #tpu.memory_space<vmem>> -> memref<8x128xf32, #tpu.memory_space<vmem>>
        %dma_start3A_318 = tpu.memref_slice %arg3[%mul3A_4, %mul3A_312] : memref<64x1000000xf32, #tpu.memory_space<hbm>> -> memref<8x128xf32, #tpu.memory_space<hbm>>
        %dma_start3A_319 = arith.constant 0 : i32
        %dma_start3A_320 = arith.constant 0 : i32
        %dma_start3A_321 = tpu.memref_slice %arg6[%and3A_26, %dma_start3A_313, %dma_start3A_319, %dma_start3A_320] : memref<2x32x8x128xf32, #tpu.memory_space<vmem>> -> memref<1x1x8x128xf32, #tpu.memory_space<vmem>>
        %dma_start3A_322 = tpu.memref_squeeze %dma_start3A_321 : memref<1x1x8x128xf32, #tpu.memory_space<vmem>> -> memref<8x128xf32, #tpu.memory_space<vmem>>
        %dma_start3A_323 = tpu.memref_slice %arg3[%mul3A_4, %mul3A_312] : memref<64x1000000xf32, #tpu.memory_space<hbm>> -> memref<8x128xf32, #tpu.memory_space<hbm>>
        tpu.enqueue_dma source(%dma_start3A_323 : memref<8x128xf32, #tpu.memory_space<hbm>>) target(%dma_start3A_322 : memref<8x128xf32, #tpu.memory_space<vmem>>) target_semaphore(%arg8 : memref<!tpu.dma_semaphore, #tpu.memory_space<semaphore_mem>>)
        %slice3A_324 = vector.extract_strided_slice %get3A_306 {offsets = [1], sizes = [1], strides = [1]} : vector<16xi32> to vector<1xi32>
        %squeeze3A_325 = vector.extract %slice3A_324[0] : i32 from vector<1xi32>
        %shift_right_arithmetic3A_326 = arith.constant 7 : i32
        %shift_right_arithmetic3A_327 = arith.shrsi %squeeze3A_325, %shift_right_arithmetic3A_326 : i32
        %mul3A_328 = arith.constant 128 : i32
        %mul3A_329 = arith.muli %shift_right_arithmetic3A_327, %mul3A_328 : i32
        %dma_start3A_330 = arith.constant 17 : i32
        %dma_start3A_331 = arith.constant 0 : i32
        %dma_start3A_332 = arith.constant 0 : i32
        %dma_start3A_333 = tpu.memref_slice %arg6[%and3A_26, %dma_start3A_330, %dma_start3A_331, %dma_start3A_332] : memref<2x32x8x128xf32, #tpu.memory_space<vmem>> -> memref<1x1x8x128xf32, #tpu.memory_space<vmem>>
        %dma_start3A_334 = tpu.memref_squeeze %dma_start3A_333 : memref<1x1x8x128xf32, #tpu.memory_space<vmem>> -> memref<8x128xf32, #tpu.memory_space<vmem>>
        %dma_start3A_335 = tpu.memref_slice %arg3[%mul3A_4, %mul3A_329] : memref<64x1000000xf32, #tpu.memory_space<hbm>> -> memref<8x128xf32, #tpu.memory_space<hbm>>
        %dma_start3A_336 = arith.constant 0 : i32
        %dma_start3A_337 = arith.constant 0 : i32
        %dma_start3A_338 = tpu.memref_slice %arg6[%and3A_26, %dma_start3A_330, %dma_start3A_336, %dma_start3A_337] : memref<2x32x8x128xf32, #tpu.memory_space<vmem>> -> memref<1x1x8x128xf32, #tpu.memory_space<vmem>>
        %dma_start3A_339 = tpu.memref_squeeze %dma_start3A_338 : memref<1x1x8x128xf32, #tpu.memory_space<vmem>> -> memref<8x128xf32, #tpu.memory_space<vmem>>
        %dma_start3A_340 = tpu.memref_slice %arg3[%mul3A_4, %mul3A_329] : memref<64x1000000xf32, #tpu.memory_space<hbm>> -> memref<8x128xf32, #tpu.memory_space<hbm>>
        tpu.enqueue_dma source(%dma_start3A_340 : memref<8x128xf32, #tpu.memory_space<hbm>>) target(%dma_start3A_339 : memref<8x128xf32, #tpu.memory_space<vmem>>) target_semaphore(%arg8 : memref<!tpu.dma_semaphore, #tpu.memory_space<semaphore_mem>>)
        %slice3A_341 = vector.extract_strided_slice %get3A_306 {offsets = [2], sizes = [1], strides = [1]} : vector<16xi32> to vector<1xi32>
        %squeeze3A_342 = vector.extract %slice3A_341[0] : i32 from vector<1xi32>
        %shift_right_arithmetic3A_343 = arith.constant 7 : i32
        %shift_right_arithmetic3A_344 = arith.shrsi %squeeze3A_342, %shift_right_arithmetic3A_343 : i32
        %mul3A_345 = arith.constant 128 : i32
        %mul3A_346 = arith.muli %shift_right_arithmetic3A_344, %mul3A_345 : i32
        %dma_start3A_347 = arith.constant 18 : i32
        %dma_start3A_348 = arith.constant 0 : i32
        %dma_start3A_349 = arith.constant 0 : i32
        %dma_start3A_350 = tpu.memref_slice %arg6[%and3A_26, %dma_start3A_347, %dma_start3A_348, %dma_start3A_349] : memref<2x32x8x128xf32, #tpu.memory_space<vmem>> -> memref<1x1x8x128xf32, #tpu.memory_space<vmem>>
        %dma_start3A_351 = tpu.memref_squeeze %dma_start3A_350 : memref<1x1x8x128xf32, #tpu.memory_space<vmem>> -> memref<8x128xf32, #tpu.memory_space<vmem>>
        %dma_start3A_352 = tpu.memref_slice %arg3[%mul3A_4, %mul3A_346] : memref<64x1000000xf32, #tpu.memory_space<hbm>> -> memref<8x128xf32, #tpu.memory_space<hbm>>
        %dma_start3A_353 = arith.constant 0 : i32
        %dma_start3A_354 = arith.constant 0 : i32
        %dma_start3A_355 = tpu.memref_slice %arg6[%and3A_26, %dma_start3A_347, %dma_start3A_353, %dma_start3A_354] : memref<2x32x8x128xf32, #tpu.memory_space<vmem>> -> memref<1x1x8x128xf32, #tpu.memory_space<vmem>>
        %dma_start3A_356 = tpu.memref_squeeze %dma_start3A_355 : memref<1x1x8x128xf32, #tpu.memory_space<vmem>> -> memref<8x128xf32, #tpu.memory_space<vmem>>
        %dma_start3A_357 = tpu.memref_slice %arg3[%mul3A_4, %mul3A_346] : memref<64x1000000xf32, #tpu.memory_space<hbm>> -> memref<8x128xf32, #tpu.memory_space<hbm>>
        tpu.enqueue_dma source(%dma_start3A_357 : memref<8x128xf32, #tpu.memory_space<hbm>>) target(%dma_start3A_356 : memref<8x128xf32, #tpu.memory_space<vmem>>) target_semaphore(%arg8 : memref<!tpu.dma_semaphore, #tpu.memory_space<semaphore_mem>>)
        %slice3A_358 = vector.extract_strided_slice %get3A_306 {offsets = [3], sizes = [1], strides = [1]} : vector<16xi32> to vector<1xi32>
        %squeeze3A_359 = vector.extract %slice3A_358[0] : i32 from vector<1xi32>
        %shift_right_arithmetic3A_360 = arith.constant 7 : i32
        %shift_right_arithmetic3A_361 = arith.shrsi %squeeze3A_359, %shift_right_arithmetic3A_360 : i32
        %mul3A_362 = arith.constant 128 : i32
        %mul3A_363 = arith.muli %shift_right_arithmetic3A_361, %mul3A_362 : i32
        %dma_start3A_364 = arith.constant 19 : i32
        %dma_start3A_365 = arith.constant 0 : i32
        %dma_start3A_366 = arith.constant 0 : i32
        %dma_start3A_367 = tpu.memref_slice %arg6[%and3A_26, %dma_start3A_364, %dma_start3A_365, %dma_start3A_366] : memref<2x32x8x128xf32, #tpu.memory_space<vmem>> -> memref<1x1x8x128xf32, #tpu.memory_space<vmem>>
        %dma_start3A_368 = tpu.memref_squeeze %dma_start3A_367 : memref<1x1x8x128xf32, #tpu.memory_space<vmem>> -> memref<8x128xf32, #tpu.memory_space<vmem>>
        %dma_start3A_369 = tpu.memref_slice %arg3[%mul3A_4, %mul3A_363] : memref<64x1000000xf32, #tpu.memory_space<hbm>> -> memref<8x128xf32, #tpu.memory_space<hbm>>
        %dma_start3A_370 = arith.constant 0 : i32
        %dma_start3A_371 = arith.constant 0 : i32
        %dma_start3A_372 = tpu.memref_slice %arg6[%and3A_26, %dma_start3A_364, %dma_start3A_370, %dma_start3A_371] : memref<2x32x8x128xf32, #tpu.memory_space<vmem>> -> memref<1x1x8x128xf32, #tpu.memory_space<vmem>>
        %dma_start3A_373 = tpu.memref_squeeze %dma_start3A_372 : memref<1x1x8x128xf32, #tpu.memory_space<vmem>> -> memref<8x128xf32, #tpu.memory_space<vmem>>
        %dma_start3A_374 = tpu.memref_slice %arg3[%mul3A_4, %mul3A_363] : memref<64x1000000xf32, #tpu.memory_space<hbm>> -> memref<8x128xf32, #tpu.memory_space<hbm>>
        tpu.enqueue_dma source(%dma_start3A_374 : memref<8x128xf32, #tpu.memory_space<hbm>>) target(%dma_start3A_373 : memref<8x128xf32, #tpu.memory_space<vmem>>) target_semaphore(%arg8 : memref<!tpu.dma_semaphore, #tpu.memory_space<semaphore_mem>>)
        %slice3A_375 = vector.extract_strided_slice %get3A_306 {offsets = [4], sizes = [1], strides = [1]} : vector<16xi32> to vector<1xi32>
        %squeeze3A_376 = vector.extract %slice3A_375[0] : i32 from vector<1xi32>
        %shift_right_arithmetic3A_377 = arith.constant 7 : i32
        %shift_right_arithmetic3A_378 = arith.shrsi %squeeze3A_376, %shift_right_arithmetic3A_377 : i32
        %mul3A_379 = arith.constant 128 : i32
        %mul3A_380 = arith.muli %shift_right_arithmetic3A_378, %mul3A_379 : i32
        %dma_start3A_381 = arith.constant 20 : i32
        %dma_start3A_382 = arith.constant 0 : i32
        %dma_start3A_383 = arith.constant 0 : i32
        %dma_start3A_384 = tpu.memref_slice %arg6[%and3A_26, %dma_start3A_381, %dma_start3A_382, %dma_start3A_383] : memref<2x32x8x128xf32, #tpu.memory_space<vmem>> -> memref<1x1x8x128xf32, #tpu.memory_space<vmem>>
        %dma_start3A_385 = tpu.memref_squeeze %dma_start3A_384 : memref<1x1x8x128xf32, #tpu.memory_space<vmem>> -> memref<8x128xf32, #tpu.memory_space<vmem>>
        %dma_start3A_386 = tpu.memref_slice %arg3[%mul3A_4, %mul3A_380] : memref<64x1000000xf32, #tpu.memory_space<hbm>> -> memref<8x128xf32, #tpu.memory_space<hbm>>
        %dma_start3A_387 = arith.constant 0 : i32
        %dma_start3A_388 = arith.constant 0 : i32
        %dma_start3A_389 = tpu.memref_slice %arg6[%and3A_26, %dma_start3A_381, %dma_start3A_387, %dma_start3A_388] : memref<2x32x8x128xf32, #tpu.memory_space<vmem>> -> memref<1x1x8x128xf32, #tpu.memory_space<vmem>>
        %dma_start3A_390 = tpu.memref_squeeze %dma_start3A_389 : memref<1x1x8x128xf32, #tpu.memory_space<vmem>> -> memref<8x128xf32, #tpu.memory_space<vmem>>
        %dma_start3A_391 = tpu.memref_slice %arg3[%mul3A_4, %mul3A_380] : memref<64x1000000xf32, #tpu.memory_space<hbm>> -> memref<8x128xf32, #tpu.memory_space<hbm>>
        tpu.enqueue_dma source(%dma_start3A_391 : memref<8x128xf32, #tpu.memory_space<hbm>>) target(%dma_start3A_390 : memref<8x128xf32, #tpu.memory_space<vmem>>) target_semaphore(%arg8 : memref<!tpu.dma_semaphore, #tpu.memory_space<semaphore_mem>>)
        %slice3A_392 = vector.extract_strided_slice %get3A_306 {offsets = [5], sizes = [1], strides = [1]} : vector<16xi32> to vector<1xi32>
        %squeeze3A_393 = vector.extract %slice3A_392[0] : i32 from vector<1xi32>
        %shift_right_arithmetic3A_394 = arith.constant 7 : i32
        %shift_right_arithmetic3A_395 = arith.shrsi %squeeze3A_393, %shift_right_arithmetic3A_394 : i32
        %mul3A_396 = arith.constant 128 : i32
        %mul3A_397 = arith.muli %shift_right_arithmetic3A_395, %mul3A_396 : i32
        %dma_start3A_398 = arith.constant 21 : i32
        %dma_start3A_399 = arith.constant 0 : i32
        %dma_start3A_400 = arith.constant 0 : i32
        %dma_start3A_401 = tpu.memref_slice %arg6[%and3A_26, %dma_start3A_398, %dma_start3A_399, %dma_start3A_400] : memref<2x32x8x128xf32, #tpu.memory_space<vmem>> -> memref<1x1x8x128xf32, #tpu.memory_space<vmem>>
        %dma_start3A_402 = tpu.memref_squeeze %dma_start3A_401 : memref<1x1x8x128xf32, #tpu.memory_space<vmem>> -> memref<8x128xf32, #tpu.memory_space<vmem>>
        %dma_start3A_403 = tpu.memref_slice %arg3[%mul3A_4, %mul3A_397] : memref<64x1000000xf32, #tpu.memory_space<hbm>> -> memref<8x128xf32, #tpu.memory_space<hbm>>
        %dma_start3A_404 = arith.constant 0 : i32
        %dma_start3A_405 = arith.constant 0 : i32
        %dma_start3A_406 = tpu.memref_slice %arg6[%and3A_26, %dma_start3A_398, %dma_start3A_404, %dma_start3A_405] : memref<2x32x8x128xf32, #tpu.memory_space<vmem>> -> memref<1x1x8x128xf32, #tpu.memory_space<vmem>>
        %dma_start3A_407 = tpu.memref_squeeze %dma_start3A_406 : memref<1x1x8x128xf32, #tpu.memory_space<vmem>> -> memref<8x128xf32, #tpu.memory_space<vmem>>
        %dma_start3A_408 = tpu.memref_slice %arg3[%mul3A_4, %mul3A_397] : memref<64x1000000xf32, #tpu.memory_space<hbm>> -> memref<8x128xf32, #tpu.memory_space<hbm>>
        tpu.enqueue_dma source(%dma_start3A_408 : memref<8x128xf32, #tpu.memory_space<hbm>>) target(%dma_start3A_407 : memref<8x128xf32, #tpu.memory_space<vmem>>) target_semaphore(%arg8 : memref<!tpu.dma_semaphore, #tpu.memory_space<semaphore_mem>>)
        %slice3A_409 = vector.extract_strided_slice %get3A_306 {offsets = [6], sizes = [1], strides = [1]} : vector<16xi32> to vector<1xi32>
        %squeeze3A_410 = vector.extract %slice3A_409[0] : i32 from vector<1xi32>
        %shift_right_arithmetic3A_411 = arith.constant 7 : i32
        %shift_right_arithmetic3A_412 = arith.shrsi %squeeze3A_410, %shift_right_arithmetic3A_411 : i32
        %mul3A_413 = arith.constant 128 : i32
        %mul3A_414 = arith.muli %shift_right_arithmetic3A_412, %mul3A_413 : i32
        %dma_start3A_415 = arith.constant 22 : i32
        %dma_start3A_416 = arith.constant 0 : i32
        %dma_start3A_417 = arith.constant 0 : i32
        %dma_start3A_418 = tpu.memref_slice %arg6[%and3A_26, %dma_start3A_415, %dma_start3A_416, %dma_start3A_417] : memref<2x32x8x128xf32, #tpu.memory_space<vmem>> -> memref<1x1x8x128xf32, #tpu.memory_space<vmem>>
        %dma_start3A_419 = tpu.memref_squeeze %dma_start3A_418 : memref<1x1x8x128xf32, #tpu.memory_space<vmem>> -> memref<8x128xf32, #tpu.memory_space<vmem>>
        %dma_start3A_420 = tpu.memref_slice %arg3[%mul3A_4, %mul3A_414] : memref<64x1000000xf32, #tpu.memory_space<hbm>> -> memref<8x128xf32, #tpu.memory_space<hbm>>
        %dma_start3A_421 = arith.constant 0 : i32
        %dma_start3A_422 = arith.constant 0 : i32
        %dma_start3A_423 = tpu.memref_slice %arg6[%and3A_26, %dma_start3A_415, %dma_start3A_421, %dma_start3A_422] : memref<2x32x8x128xf32, #tpu.memory_space<vmem>> -> memref<1x1x8x128xf32, #tpu.memory_space<vmem>>
        %dma_start3A_424 = tpu.memref_squeeze %dma_start3A_423 : memref<1x1x8x128xf32, #tpu.memory_space<vmem>> -> memref<8x128xf32, #tpu.memory_space<vmem>>
        %dma_start3A_425 = tpu.memref_slice %arg3[%mul3A_4, %mul3A_414] : memref<64x1000000xf32, #tpu.memory_space<hbm>> -> memref<8x128xf32, #tpu.memory_space<hbm>>
        tpu.enqueue_dma source(%dma_start3A_425 : memref<8x128xf32, #tpu.memory_space<hbm>>) target(%dma_start3A_424 : memref<8x128xf32, #tpu.memory_space<vmem>>) target_semaphore(%arg8 : memref<!tpu.dma_semaphore, #tpu.memory_space<semaphore_mem>>)
        %slice3A_426 = vector.extract_strided_slice %get3A_306 {offsets = [7], sizes = [1], strides = [1]} : vector<16xi32> to vector<1xi32>
        %squeeze3A_427 = vector.extract %slice3A_426[0] : i32 from vector<1xi32>
        %shift_right_arithmetic3A_428 = arith.constant 7 : i32
        %shift_right_arithmetic3A_429 = arith.shrsi %squeeze3A_427, %shift_right_arithmetic3A_428 : i32
        %mul3A_430 = arith.constant 128 : i32
        %mul3A_431 = arith.muli %shift_right_arithmetic3A_429, %mul3A_430 : i32
        %dma_start3A_432 = arith.constant 23 : i32
        %dma_start3A_433 = arith.constant 0 : i32
        %dma_start3A_434 = arith.constant 0 : i32
        %dma_start3A_435 = tpu.memref_slice %arg6[%and3A_26, %dma_start3A_432, %dma_start3A_433, %dma_start3A_434] : memref<2x32x8x128xf32, #tpu.memory_space<vmem>> -> memref<1x1x8x128xf32, #tpu.memory_space<vmem>>
        %dma_start3A_436 = tpu.memref_squeeze %dma_start3A_435 : memref<1x1x8x128xf32, #tpu.memory_space<vmem>> -> memref<8x128xf32, #tpu.memory_space<vmem>>
        %dma_start3A_437 = tpu.memref_slice %arg3[%mul3A_4, %mul3A_431] : memref<64x1000000xf32, #tpu.memory_space<hbm>> -> memref<8x128xf32, #tpu.memory_space<hbm>>
        %dma_start3A_438 = arith.constant 0 : i32
        %dma_start3A_439 = arith.constant 0 : i32
        %dma_start3A_440 = tpu.memref_slice %arg6[%and3A_26, %dma_start3A_432, %dma_start3A_438, %dma_start3A_439] : memref<2x32x8x128xf32, #tpu.memory_space<vmem>> -> memref<1x1x8x128xf32, #tpu.memory_space<vmem>>
        %dma_start3A_441 = tpu.memref_squeeze %dma_start3A_440 : memref<1x1x8x128xf32, #tpu.memory_space<vmem>> -> memref<8x128xf32, #tpu.memory_space<vmem>>
        %dma_start3A_442 = tpu.memref_slice %arg3[%mul3A_4, %mul3A_431] : memref<64x1000000xf32, #tpu.memory_space<hbm>> -> memref<8x128xf32, #tpu.memory_space<hbm>>
        tpu.enqueue_dma source(%dma_start3A_442 : memref<8x128xf32, #tpu.memory_space<hbm>>) target(%dma_start3A_441 : memref<8x128xf32, #tpu.memory_space<vmem>>) target_semaphore(%arg8 : memref<!tpu.dma_semaphore, #tpu.memory_space<semaphore_mem>>)
        %slice3A_443 = vector.extract_strided_slice %get3A_306 {offsets = [8], sizes = [1], strides = [1]} : vector<16xi32> to vector<1xi32>
        %squeeze3A_444 = vector.extract %slice3A_443[0] : i32 from vector<1xi32>
        %shift_right_arithmetic3A_445 = arith.constant 7 : i32
        %shift_right_arithmetic3A_446 = arith.shrsi %squeeze3A_444, %shift_right_arithmetic3A_445 : i32
        %mul3A_447 = arith.constant 128 : i32
        %mul3A_448 = arith.muli %shift_right_arithmetic3A_446, %mul3A_447 : i32
        %dma_start3A_449 = arith.constant 24 : i32
        %dma_start3A_450 = arith.constant 0 : i32
        %dma_start3A_451 = arith.constant 0 : i32
        %dma_start3A_452 = tpu.memref_slice %arg6[%and3A_26, %dma_start3A_449, %dma_start3A_450, %dma_start3A_451] : memref<2x32x8x128xf32, #tpu.memory_space<vmem>> -> memref<1x1x8x128xf32, #tpu.memory_space<vmem>>
        %dma_start3A_453 = tpu.memref_squeeze %dma_start3A_452 : memref<1x1x8x128xf32, #tpu.memory_space<vmem>> -> memref<8x128xf32, #tpu.memory_space<vmem>>
        %dma_start3A_454 = tpu.memref_slice %arg3[%mul3A_4, %mul3A_448] : memref<64x1000000xf32, #tpu.memory_space<hbm>> -> memref<8x128xf32, #tpu.memory_space<hbm>>
        %dma_start3A_455 = arith.constant 0 : i32
        %dma_start3A_456 = arith.constant 0 : i32
        %dma_start3A_457 = tpu.memref_slice %arg6[%and3A_26, %dma_start3A_449, %dma_start3A_455, %dma_start3A_456] : memref<2x32x8x128xf32, #tpu.memory_space<vmem>> -> memref<1x1x8x128xf32, #tpu.memory_space<vmem>>
        %dma_start3A_458 = tpu.memref_squeeze %dma_start3A_457 : memref<1x1x8x128xf32, #tpu.memory_space<vmem>> -> memref<8x128xf32, #tpu.memory_space<vmem>>
        %dma_start3A_459 = tpu.memref_slice %arg3[%mul3A_4, %mul3A_448] : memref<64x1000000xf32, #tpu.memory_space<hbm>> -> memref<8x128xf32, #tpu.memory_space<hbm>>
        tpu.enqueue_dma source(%dma_start3A_459 : memref<8x128xf32, #tpu.memory_space<hbm>>) target(%dma_start3A_458 : memref<8x128xf32, #tpu.memory_space<vmem>>) target_semaphore(%arg8 : memref<!tpu.dma_semaphore, #tpu.memory_space<semaphore_mem>>)
        %slice3A_460 = vector.extract_strided_slice %get3A_306 {offsets = [9], sizes = [1], strides = [1]} : vector<16xi32> to vector<1xi32>
        %squeeze3A_461 = vector.extract %slice3A_460[0] : i32 from vector<1xi32>
        %shift_right_arithmetic3A_462 = arith.constant 7 : i32
        %shift_right_arithmetic3A_463 = arith.shrsi %squeeze3A_461, %shift_right_arithmetic3A_462 : i32
        %mul3A_464 = arith.constant 128 : i32
        %mul3A_465 = arith.muli %shift_right_arithmetic3A_463, %mul3A_464 : i32
        %dma_start3A_466 = arith.constant 25 : i32
        %dma_start3A_467 = arith.constant 0 : i32
        %dma_start3A_468 = arith.constant 0 : i32
        %dma_start3A_469 = tpu.memref_slice %arg6[%and3A_26, %dma_start3A_466, %dma_start3A_467, %dma_start3A_468] : memref<2x32x8x128xf32, #tpu.memory_space<vmem>> -> memref<1x1x8x128xf32, #tpu.memory_space<vmem>>
        %dma_start3A_470 = tpu.memref_squeeze %dma_start3A_469 : memref<1x1x8x128xf32, #tpu.memory_space<vmem>> -> memref<8x128xf32, #tpu.memory_space<vmem>>
        %dma_start3A_471 = tpu.memref_slice %arg3[%mul3A_4, %mul3A_465] : memref<64x1000000xf32, #tpu.memory_space<hbm>> -> memref<8x128xf32, #tpu.memory_space<hbm>>
        %dma_start3A_472 = arith.constant 0 : i32
        %dma_start3A_473 = arith.constant 0 : i32
        %dma_start3A_474 = tpu.memref_slice %arg6[%and3A_26, %dma_start3A_466, %dma_start3A_472, %dma_start3A_473] : memref<2x32x8x128xf32, #tpu.memory_space<vmem>> -> memref<1x1x8x128xf32, #tpu.memory_space<vmem>>
        %dma_start3A_475 = tpu.memref_squeeze %dma_start3A_474 : memref<1x1x8x128xf32, #tpu.memory_space<vmem>> -> memref<8x128xf32, #tpu.memory_space<vmem>>
        %dma_start3A_476 = tpu.memref_slice %arg3[%mul3A_4, %mul3A_465] : memref<64x1000000xf32, #tpu.memory_space<hbm>> -> memref<8x128xf32, #tpu.memory_space<hbm>>
        tpu.enqueue_dma source(%dma_start3A_476 : memref<8x128xf32, #tpu.memory_space<hbm>>) target(%dma_start3A_475 : memref<8x128xf32, #tpu.memory_space<vmem>>) target_semaphore(%arg8 : memref<!tpu.dma_semaphore, #tpu.memory_space<semaphore_mem>>)
        %slice3A_477 = vector.extract_strided_slice %get3A_306 {offsets = [10], sizes = [1], strides = [1]} : vector<16xi32> to vector<1xi32>
        %squeeze3A_478 = vector.extract %slice3A_477[0] : i32 from vector<1xi32>
        %shift_right_arithmetic3A_479 = arith.constant 7 : i32
        %shift_right_arithmetic3A_480 = arith.shrsi %squeeze3A_478, %shift_right_arithmetic3A_479 : i32
        %mul3A_481 = arith.constant 128 : i32
        %mul3A_482 = arith.muli %shift_right_arithmetic3A_480, %mul3A_481 : i32
        %dma_start3A_483 = arith.constant 26 : i32
        %dma_start3A_484 = arith.constant 0 : i32
        %dma_start3A_485 = arith.constant 0 : i32
        %dma_start3A_486 = tpu.memref_slice %arg6[%and3A_26, %dma_start3A_483, %dma_start3A_484, %dma_start3A_485] : memref<2x32x8x128xf32, #tpu.memory_space<vmem>> -> memref<1x1x8x128xf32, #tpu.memory_space<vmem>>
        %dma_start3A_487 = tpu.memref_squeeze %dma_start3A_486 : memref<1x1x8x128xf32, #tpu.memory_space<vmem>> -> memref<8x128xf32, #tpu.memory_space<vmem>>
        %dma_start3A_488 = tpu.memref_slice %arg3[%mul3A_4, %mul3A_482] : memref<64x1000000xf32, #tpu.memory_space<hbm>> -> memref<8x128xf32, #tpu.memory_space<hbm>>
        %dma_start3A_489 = arith.constant 0 : i32
        %dma_start3A_490 = arith.constant 0 : i32
        %dma_start3A_491 = tpu.memref_slice %arg6[%and3A_26, %dma_start3A_483, %dma_start3A_489, %dma_start3A_490] : memref<2x32x8x128xf32, #tpu.memory_space<vmem>> -> memref<1x1x8x128xf32, #tpu.memory_space<vmem>>
        %dma_start3A_492 = tpu.memref_squeeze %dma_start3A_491 : memref<1x1x8x128xf32, #tpu.memory_space<vmem>> -> memref<8x128xf32, #tpu.memory_space<vmem>>
        %dma_start3A_493 = tpu.memref_slice %arg3[%mul3A_4, %mul3A_482] : memref<64x1000000xf32, #tpu.memory_space<hbm>> -> memref<8x128xf32, #tpu.memory_space<hbm>>
        tpu.enqueue_dma source(%dma_start3A_493 : memref<8x128xf32, #tpu.memory_space<hbm>>) target(%dma_start3A_492 : memref<8x128xf32, #tpu.memory_space<vmem>>) target_semaphore(%arg8 : memref<!tpu.dma_semaphore, #tpu.memory_space<semaphore_mem>>)
        %slice3A_494 = vector.extract_strided_slice %get3A_306 {offsets = [11], sizes = [1], strides = [1]} : vector<16xi32> to vector<1xi32>
        %squeeze3A_495 = vector.extract %slice3A_494[0] : i32 from vector<1xi32>
        %shift_right_arithmetic3A_496 = arith.constant 7 : i32
        %shift_right_arithmetic3A_497 = arith.shrsi %squeeze3A_495, %shift_right_arithmetic3A_496 : i32
        %mul3A_498 = arith.constant 128 : i32
        %mul3A_499 = arith.muli %shift_right_arithmetic3A_497, %mul3A_498 : i32
        %dma_start3A_500 = arith.constant 27 : i32
        %dma_start3A_501 = arith.constant 0 : i32
        %dma_start3A_502 = arith.constant 0 : i32
        %dma_start3A_503 = tpu.memref_slice %arg6[%and3A_26, %dma_start3A_500, %dma_start3A_501, %dma_start3A_502] : memref<2x32x8x128xf32, #tpu.memory_space<vmem>> -> memref<1x1x8x128xf32, #tpu.memory_space<vmem>>
        %dma_start3A_504 = tpu.memref_squeeze %dma_start3A_503 : memref<1x1x8x128xf32, #tpu.memory_space<vmem>> -> memref<8x128xf32, #tpu.memory_space<vmem>>
        %dma_start3A_505 = tpu.memref_slice %arg3[%mul3A_4, %mul3A_499] : memref<64x1000000xf32, #tpu.memory_space<hbm>> -> memref<8x128xf32, #tpu.memory_space<hbm>>
        %dma_start3A_506 = arith.constant 0 : i32
        %dma_start3A_507 = arith.constant 0 : i32
        %dma_start3A_508 = tpu.memref_slice %arg6[%and3A_26, %dma_start3A_500, %dma_start3A_506, %dma_start3A_507] : memref<2x32x8x128xf32, #tpu.memory_space<vmem>> -> memref<1x1x8x128xf32, #tpu.memory_space<vmem>>
        %dma_start3A_509 = tpu.memref_squeeze %dma_start3A_508 : memref<1x1x8x128xf32, #tpu.memory_space<vmem>> -> memref<8x128xf32, #tpu.memory_space<vmem>>
        %dma_start3A_510 = tpu.memref_slice %arg3[%mul3A_4, %mul3A_499] : memref<64x1000000xf32, #tpu.memory_space<hbm>> -> memref<8x128xf32, #tpu.memory_space<hbm>>
        tpu.enqueue_dma source(%dma_start3A_510 : memref<8x128xf32, #tpu.memory_space<hbm>>) target(%dma_start3A_509 : memref<8x128xf32, #tpu.memory_space<vmem>>) target_semaphore(%arg8 : memref<!tpu.dma_semaphore, #tpu.memory_space<semaphore_mem>>)
        %slice3A_511 = vector.extract_strided_slice %get3A_306 {offsets = [12], sizes = [1], strides = [1]} : vector<16xi32> to vector<1xi32>
        %squeeze3A_512 = vector.extract %slice3A_511[0] : i32 from vector<1xi32>
        %shift_right_arithmetic3A_513 = arith.constant 7 : i32
        %shift_right_arithmetic3A_514 = arith.shrsi %squeeze3A_512, %shift_right_arithmetic3A_513 : i32
        %mul3A_515 = arith.constant 128 : i32
        %mul3A_516 = arith.muli %shift_right_arithmetic3A_514, %mul3A_515 : i32
        %dma_start3A_517 = arith.constant 28 : i32
        %dma_start3A_518 = arith.constant 0 : i32
        %dma_start3A_519 = arith.constant 0 : i32
        %dma_start3A_520 = tpu.memref_slice %arg6[%and3A_26, %dma_start3A_517, %dma_start3A_518, %dma_start3A_519] : memref<2x32x8x128xf32, #tpu.memory_space<vmem>> -> memref<1x1x8x128xf32, #tpu.memory_space<vmem>>
        %dma_start3A_521 = tpu.memref_squeeze %dma_start3A_520 : memref<1x1x8x128xf32, #tpu.memory_space<vmem>> -> memref<8x128xf32, #tpu.memory_space<vmem>>
        %dma_start3A_522 = tpu.memref_slice %arg3[%mul3A_4, %mul3A_516] : memref<64x1000000xf32, #tpu.memory_space<hbm>> -> memref<8x128xf32, #tpu.memory_space<hbm>>
        %dma_start3A_523 = arith.constant 0 : i32
        %dma_start3A_524 = arith.constant 0 : i32
        %dma_start3A_525 = tpu.memref_slice %arg6[%and3A_26, %dma_start3A_517, %dma_start3A_523, %dma_start3A_524] : memref<2x32x8x128xf32, #tpu.memory_space<vmem>> -> memref<1x1x8x128xf32, #tpu.memory_space<vmem>>
        %dma_start3A_526 = tpu.memref_squeeze %dma_start3A_525 : memref<1x1x8x128xf32, #tpu.memory_space<vmem>> -> memref<8x128xf32, #tpu.memory_space<vmem>>
        %dma_start3A_527 = tpu.memref_slice %arg3[%mul3A_4, %mul3A_516] : memref<64x1000000xf32, #tpu.memory_space<hbm>> -> memref<8x128xf32, #tpu.memory_space<hbm>>
        tpu.enqueue_dma source(%dma_start3A_527 : memref<8x128xf32, #tpu.memory_space<hbm>>) target(%dma_start3A_526 : memref<8x128xf32, #tpu.memory_space<vmem>>) target_semaphore(%arg8 : memref<!tpu.dma_semaphore, #tpu.memory_space<semaphore_mem>>)
        %slice3A_528 = vector.extract_strided_slice %get3A_306 {offsets = [13], sizes = [1], strides = [1]} : vector<16xi32> to vector<1xi32>
        %squeeze3A_529 = vector.extract %slice3A_528[0] : i32 from vector<1xi32>
        %shift_right_arithmetic3A_530 = arith.constant 7 : i32
        %shift_right_arithmetic3A_531 = arith.shrsi %squeeze3A_529, %shift_right_arithmetic3A_530 : i32
        %mul3A_532 = arith.constant 128 : i32
        %mul3A_533 = arith.muli %shift_right_arithmetic3A_531, %mul3A_532 : i32
        %dma_start3A_534 = arith.constant 29 : i32
        %dma_start3A_535 = arith.constant 0 : i32
        %dma_start3A_536 = arith.constant 0 : i32
        %dma_start3A_537 = tpu.memref_slice %arg6[%and3A_26, %dma_start3A_534, %dma_start3A_535, %dma_start3A_536] : memref<2x32x8x128xf32, #tpu.memory_space<vmem>> -> memref<1x1x8x128xf32, #tpu.memory_space<vmem>>
        %dma_start3A_538 = tpu.memref_squeeze %dma_start3A_537 : memref<1x1x8x128xf32, #tpu.memory_space<vmem>> -> memref<8x128xf32, #tpu.memory_space<vmem>>
        %dma_start3A_539 = tpu.memref_slice %arg3[%mul3A_4, %mul3A_533] : memref<64x1000000xf32, #tpu.memory_space<hbm>> -> memref<8x128xf32, #tpu.memory_space<hbm>>
        %dma_start3A_540 = arith.constant 0 : i32
        %dma_start3A_541 = arith.constant 0 : i32
        %dma_start3A_542 = tpu.memref_slice %arg6[%and3A_26, %dma_start3A_534, %dma_start3A_540, %dma_start3A_541] : memref<2x32x8x128xf32, #tpu.memory_space<vmem>> -> memref<1x1x8x128xf32, #tpu.memory_space<vmem>>
        %dma_start3A_543 = tpu.memref_squeeze %dma_start3A_542 : memref<1x1x8x128xf32, #tpu.memory_space<vmem>> -> memref<8x128xf32, #tpu.memory_space<vmem>>
        %dma_start3A_544 = tpu.memref_slice %arg3[%mul3A_4, %mul3A_533] : memref<64x1000000xf32, #tpu.memory_space<hbm>> -> memref<8x128xf32, #tpu.memory_space<hbm>>
        tpu.enqueue_dma source(%dma_start3A_544 : memref<8x128xf32, #tpu.memory_space<hbm>>) target(%dma_start3A_543 : memref<8x128xf32, #tpu.memory_space<vmem>>) target_semaphore(%arg8 : memref<!tpu.dma_semaphore, #tpu.memory_space<semaphore_mem>>)
        %slice3A_545 = vector.extract_strided_slice %get3A_306 {offsets = [14], sizes = [1], strides = [1]} : vector<16xi32> to vector<1xi32>
        %squeeze3A_546 = vector.extract %slice3A_545[0] : i32 from vector<1xi32>
        %shift_right_arithmetic3A_547 = arith.constant 7 : i32
        %shift_right_arithmetic3A_548 = arith.shrsi %squeeze3A_546, %shift_right_arithmetic3A_547 : i32
        %mul3A_549 = arith.constant 128 : i32
        %mul3A_550 = arith.muli %shift_right_arithmetic3A_548, %mul3A_549 : i32
        %dma_start3A_551 = arith.constant 30 : i32
        %dma_start3A_552 = arith.constant 0 : i32
        %dma_start3A_553 = arith.constant 0 : i32
        %dma_start3A_554 = tpu.memref_slice %arg6[%and3A_26, %dma_start3A_551, %dma_start3A_552, %dma_start3A_553] : memref<2x32x8x128xf32, #tpu.memory_space<vmem>> -> memref<1x1x8x128xf32, #tpu.memory_space<vmem>>
        %dma_start3A_555 = tpu.memref_squeeze %dma_start3A_554 : memref<1x1x8x128xf32, #tpu.memory_space<vmem>> -> memref<8x128xf32, #tpu.memory_space<vmem>>
        %dma_start3A_556 = tpu.memref_slice %arg3[%mul3A_4, %mul3A_550] : memref<64x1000000xf32, #tpu.memory_space<hbm>> -> memref<8x128xf32, #tpu.memory_space<hbm>>
        %dma_start3A_557 = arith.constant 0 : i32
        %dma_start3A_558 = arith.constant 0 : i32
        %dma_start3A_559 = tpu.memref_slice %arg6[%and3A_26, %dma_start3A_551, %dma_start3A_557, %dma_start3A_558] : memref<2x32x8x128xf32, #tpu.memory_space<vmem>> -> memref<1x1x8x128xf32, #tpu.memory_space<vmem>>
        %dma_start3A_560 = tpu.memref_squeeze %dma_start3A_559 : memref<1x1x8x128xf32, #tpu.memory_space<vmem>> -> memref<8x128xf32, #tpu.memory_space<vmem>>
        %dma_start3A_561 = tpu.memref_slice %arg3[%mul3A_4, %mul3A_550] : memref<64x1000000xf32, #tpu.memory_space<hbm>> -> memref<8x128xf32, #tpu.memory_space<hbm>>
        tpu.enqueue_dma source(%dma_start3A_561 : memref<8x128xf32, #tpu.memory_space<hbm>>) target(%dma_start3A_560 : memref<8x128xf32, #tpu.memory_space<vmem>>) target_semaphore(%arg8 : memref<!tpu.dma_semaphore, #tpu.memory_space<semaphore_mem>>)
        %slice3A_562 = vector.extract_strided_slice %get3A_306 {offsets = [15], sizes = [1], strides = [1]} : vector<16xi32> to vector<1xi32>
        %squeeze3A_563 = vector.extract %slice3A_562[0] : i32 from vector<1xi32>
        %shift_right_arithmetic3A_564 = arith.constant 7 : i32
        %shift_right_arithmetic3A_565 = arith.shrsi %squeeze3A_563, %shift_right_arithmetic3A_564 : i32
        %mul3A_566 = arith.constant 128 : i32
        %mul3A_567 = arith.muli %shift_right_arithmetic3A_565, %mul3A_566 : i32
        %dma_start3A_568 = arith.constant 31 : i32
        %dma_start3A_569 = arith.constant 0 : i32
        %dma_start3A_570 = arith.constant 0 : i32
        %dma_start3A_571 = tpu.memref_slice %arg6[%and3A_26, %dma_start3A_568, %dma_start3A_569, %dma_start3A_570] : memref<2x32x8x128xf32, #tpu.memory_space<vmem>> -> memref<1x1x8x128xf32, #tpu.memory_space<vmem>>
        %dma_start3A_572 = tpu.memref_squeeze %dma_start3A_571 : memref<1x1x8x128xf32, #tpu.memory_space<vmem>> -> memref<8x128xf32, #tpu.memory_space<vmem>>
        %dma_start3A_573 = tpu.memref_slice %arg3[%mul3A_4, %mul3A_567] : memref<64x1000000xf32, #tpu.memory_space<hbm>> -> memref<8x128xf32, #tpu.memory_space<hbm>>
        %dma_start3A_574 = arith.constant 0 : i32
        %dma_start3A_575 = arith.constant 0 : i32
        %dma_start3A_576 = tpu.memref_slice %arg6[%and3A_26, %dma_start3A_568, %dma_start3A_574, %dma_start3A_575] : memref<2x32x8x128xf32, #tpu.memory_space<vmem>> -> memref<1x1x8x128xf32, #tpu.memory_space<vmem>>
        %dma_start3A_577 = tpu.memref_squeeze %dma_start3A_576 : memref<1x1x8x128xf32, #tpu.memory_space<vmem>> -> memref<8x128xf32, #tpu.memory_space<vmem>>
        %dma_start3A_578 = tpu.memref_slice %arg3[%mul3A_4, %mul3A_567] : memref<64x1000000xf32, #tpu.memory_space<hbm>> -> memref<8x128xf32, #tpu.memory_space<hbm>>
        tpu.enqueue_dma source(%dma_start3A_578 : memref<8x128xf32, #tpu.memory_space<hbm>>) target(%dma_start3A_577 : memref<8x128xf32, #tpu.memory_space<vmem>>) target_semaphore(%arg8 : memref<!tpu.dma_semaphore, #tpu.memory_space<semaphore_mem>>)
      } else {
      }
      %gt3A = arith.constant 0 : i32
      %gt3A_21 = arith.cmpi sgt, %scan3A_17, %gt3A : i32
      %convert_element_type3A_22 = arith.extui %gt3A_21 : i1 to i32
      %cond3A_23 = arith.constant 0 : i32
      %cond3A_24 = arith.cmpi ne, %convert_element_type3A_22, %cond3A_23 : i32
      scf.if %cond3A_24 {
        %sub3A = arith.constant 1 : i32
        %sub3A_25 = arith.subi %scan3A_17, %sub3A : i32
        %and3A_26 = arith.constant 1 : i32
        %and3A_27 = arith.andi %sub3A_25, %and3A_26 : i32
        %dma_wait3A = arith.constant 0 : i32
        %dma_wait3A_28 = arith.constant 0 : i32
        %dma_wait3A_29 = tpu.memref_slice %arg3[%dma_wait3A, %dma_wait3A_28] : memref<64x1000000xf32, #tpu.memory_space<hbm>> -> memref<8x4096xf32, #tpu.memory_space<hbm>>
        %dma_wait3A_30 = arith.constant 0 : i32
        %dma_wait3A_31 = arith.constant 0 : i32
        %dma_wait3A_32 = tpu.memref_slice %arg3[%dma_wait3A_30, %dma_wait3A_31] : memref<64x1000000xf32, #tpu.memory_space<hbm>> -> memref<8x4096xf32, #tpu.memory_space<hbm>>
        tpu.wait_dma2 semaphore(%arg8 : memref<!tpu.dma_semaphore, #tpu.memory_space<semaphore_mem>>) src(%dma_wait3A_32 : memref<8x4096xf32, #tpu.memory_space<hbm>>) dst(%arg7 : memref<8x4096xf32, #tpu.memory_space<vmem>>)
        %mul3A_33 = arith.constant 32 : i32
        %mul3A_34 = arith.muli %sub3A_25, %mul3A_33 : i32
        %add3A_35 = arith.constant 0 : i32
        %add3A_36 = arith.addi %mul3A_34, %add3A_35 : i32
        %get3A = arith.index_cast %add3A_36 : i32 to index
        %get3A_37 = tpu.vector_load %arg5[%get3A] {strides = array<i32>} : memref<4096xi32, #tpu.memory_space<vmem>>, vector<16xi32>,
        %and3A_38 = arith.constant 127 : i32
        %and3A_39 = vector.broadcast %and3A_38 : i32 to vector<16xi32>
        %and3A_40 = arith.andi %get3A_37, %and3A_39 : vector<16xi32>
        %jit3A = arith.constant 0 : i32
        %jit3A_41 = arith.constant 1 : i32
        %broadcast_in_dim3A = vector.broadcast %jit3A : i32 to vector<16xi32>
        %broadcast_in_dim3A_42 = vector.broadcast %jit3A_41 : i32 to vector<16xi32>
        %select_n3A = arith.select %lt3A_11, %broadcast_in_dim3A, %broadcast_in_dim3A_42 : vector<16xi1>, vector<16xi32>
        %slice3A = vector.extract_strided_slice %and3A_40 {offsets = [0], sizes = [1], strides = [1]} : vector<16xi32> to vector<1xi32>
        %squeeze3A = vector.extract %slice3A[0] : i32 from vector<1xi32>
        %slice3A_43 = vector.extract_strided_slice %and3A_40 {offsets = [1], sizes = [1], strides = [1]} : vector<16xi32> to vector<1xi32>
        %squeeze3A_44 = vector.extract %slice3A_43[0] : i32 from vector<1xi32>
        %broadcast_in_dim3A_45 = vector.broadcast %squeeze3A : i32 to vector<16xi32>
        %broadcast_in_dim3A_46 = vector.broadcast %squeeze3A_44 : i32 to vector<16xi32>
        %select_n3A_47 = arith.select %lt3A_11, %broadcast_in_dim3A_45, %broadcast_in_dim3A_46 : vector<16xi1>, vector<16xi32>
        %broadcast_in_dim3A_48 = vector.broadcast %and3A_27 : i32 to vector<16xi32>
        %gather3A = tpu.vector_load_idx %arg6[%broadcast_in_dim3A_48, %select_n3A, %and3A_9, %select_n3A_47] : memref<2x32x8x128xf32, #tpu.memory_space<vmem>>[vector<16xi32>, vector<16xi32>, vector<16xi32>, vector<16xi32>], vector<16xf32>,
        %mul3A_49 = arith.constant 32 : i32
        %mul3A_50 = arith.muli %sub3A_25, %mul3A_49 : i32
        %add3A_51 = arith.constant 0 : i32
        %add3A_52 = arith.addi %mul3A_50, %add3A_51 : i32
        %add3A_53 = arith.constant 0 : i32
        %add3A_54 = arith.addi %add3A_52, %add3A_53 : i32
        %jit3A_55 = arith.constant 0 : i32
        %jit3A_56 = arith.constant 1 : i32
        %broadcast_in_dim3A_57 = vector.broadcast %jit3A_55 : i32 to vector<16xi32>
        %broadcast_in_dim3A_58 = vector.broadcast %jit3A_56 : i32 to vector<16xi32>
        %select_n3A_59 = arith.select %lt3A_11, %broadcast_in_dim3A_57, %broadcast_in_dim3A_58 : vector<16xi1>, vector<16xi32>
        %add3A_60 = vector.broadcast %add3A_54 : i32 to vector<16xi32>
        %add3A_61 = arith.addi %add3A_60, %select_n3A_59 : vector<16xi32>
        tpu.vector_store_idx %arg7[%and3A_9, %add3A_61], %gather3A : memref<8x4096xf32, #tpu.memory_space<vmem>>[vector<16xi32>, vector<16xi32>], vector<16xf32>,
        %jit3A_62 = arith.constant 2 : i32
        %jit3A_63 = arith.constant 3 : i32
        %broadcast_in_dim3A_64 = vector.broadcast %jit3A_62 : i32 to vector<16xi32>
        %broadcast_in_dim3A_65 = vector.broadcast %jit3A_63 : i32 to vector<16xi32>
        %select_n3A_66 = arith.select %lt3A_11, %broadcast_in_dim3A_64, %broadcast_in_dim3A_65 : vector<16xi1>, vector<16xi32>
        %slice3A_67 = vector.extract_strided_slice %and3A_40 {offsets = [2], sizes = [1], strides = [1]} : vector<16xi32> to vector<1xi32>
        %squeeze3A_68 = vector.extract %slice3A_67[0] : i32 from vector<1xi32>
        %slice3A_69 = vector.extract_strided_slice %and3A_40 {offsets = [3], sizes = [1], strides = [1]} : vector<16xi32> to vector<1xi32>
        %squeeze3A_70 = vector.extract %slice3A_69[0] : i32 from vector<1xi32>
        %broadcast_in_dim3A_71 = vector.broadcast %squeeze3A_68 : i32 to vector<16xi32>
        %broadcast_in_dim3A_72 = vector.broadcast %squeeze3A_70 : i32 to vector<16xi32>
        %select_n3A_73 = arith.select %lt3A_11, %broadcast_in_dim3A_71, %broadcast_in_dim3A_72 : vector<16xi1>, vector<16xi32>
        %broadcast_in_dim3A_74 = vector.broadcast %and3A_27 : i32 to vector<16xi32>
        %gather3A_75 = tpu.vector_load_idx %arg6[%broadcast_in_dim3A_74, %select_n3A_66, %and3A_9, %select_n3A_73] : memref<2x32x8x128xf32, #tpu.memory_space<vmem>>[vector<16xi32>, vector<16xi32>, vector<16xi32>, vector<16xi32>], vector<16xf32>,
        %mul3A_76 = arith.constant 32 : i32
        %mul3A_77 = arith.muli %sub3A_25, %mul3A_76 : i32
        %add3A_78 = arith.constant 0 : i32
        %add3A_79 = arith.addi %mul3A_77, %add3A_78 : i32
        %add3A_80 = arith.constant 2 : i32
        %add3A_81 = arith.addi %add3A_79, %add3A_80 : i32
        %jit3A_82 = arith.constant 0 : i32
        %jit3A_83 = arith.constant 1 : i32
        %broadcast_in_dim3A_84 = vector.broadcast %jit3A_82 : i32 to vector<16xi32>
        %broadcast_in_dim3A_85 = vector.broadcast %jit3A_83 : i32 to vector<16xi32>
        %select_n3A_86 = arith.select %lt3A_11, %broadcast_in_dim3A_84, %broadcast_in_dim3A_85 : vector<16xi1>, vector<16xi32>
        %add3A_87 = vector.broadcast %add3A_81 : i32 to vector<16xi32>
        %add3A_88 = arith.addi %add3A_87, %select_n3A_86 : vector<16xi32>
        tpu.vector_store_idx %arg7[%and3A_9, %add3A_88], %gather3A_75 : memref<8x4096xf32, #tpu.memory_space<vmem>>[vector<16xi32>, vector<16xi32>], vector<16xf32>,
        %jit3A_89 = arith.constant 4 : i32
        %jit3A_90 = arith.constant 5 : i32
        %broadcast_in_dim3A_91 = vector.broadcast %jit3A_89 : i32 to vector<16xi32>
        %broadcast_in_dim3A_92 = vector.broadcast %jit3A_90 : i32 to vector<16xi32>
        %select_n3A_93 = arith.select %lt3A_11, %broadcast_in_dim3A_91, %broadcast_in_dim3A_92 : vector<16xi1>, vector<16xi32>
        %slice3A_94 = vector.extract_strided_slice %and3A_40 {offsets = [4], sizes = [1], strides = [1]} : vector<16xi32> to vector<1xi32>
        %squeeze3A_95 = vector.extract %slice3A_94[0] : i32 from vector<1xi32>
        %slice3A_96 = vector.extract_strided_slice %and3A_40 {offsets = [5], sizes = [1], strides = [1]} : vector<16xi32> to vector<1xi32>
        %squeeze3A_97 = vector.extract %slice3A_96[0] : i32 from vector<1xi32>
        %broadcast_in_dim3A_98 = vector.broadcast %squeeze3A_95 : i32 to vector<16xi32>
        %broadcast_in_dim3A_99 = vector.broadcast %squeeze3A_97 : i32 to vector<16xi32>
        %select_n3A_100 = arith.select %lt3A_11, %broadcast_in_dim3A_98, %broadcast_in_dim3A_99 : vector<16xi1>, vector<16xi32>
        %broadcast_in_dim3A_101 = vector.broadcast %and3A_27 : i32 to vector<16xi32>
        %gather3A_102 = tpu.vector_load_idx %arg6[%broadcast_in_dim3A_101, %select_n3A_93, %and3A_9, %select_n3A_100] : memref<2x32x8x128xf32, #tpu.memory_space<vmem>>[vector<16xi32>, vector<16xi32>, vector<16xi32>, vector<16xi32>], vector<16xf32>,
        %mul3A_103 = arith.constant 32 : i32
        %mul3A_104 = arith.muli %sub3A_25, %mul3A_103 : i32
        %add3A_105 = arith.constant 0 : i32
        %add3A_106 = arith.addi %mul3A_104, %add3A_105 : i32
        %add3A_107 = arith.constant 4 : i32
        %add3A_108 = arith.addi %add3A_106, %add3A_107 : i32
        %jit3A_109 = arith.constant 0 : i32
        %jit3A_110 = arith.constant 1 : i32
        %broadcast_in_dim3A_111 = vector.broadcast %jit3A_109 : i32 to vector<16xi32>
        %broadcast_in_dim3A_112 = vector.broadcast %jit3A_110 : i32 to vector<16xi32>
        %select_n3A_113 = arith.select %lt3A_11, %broadcast_in_dim3A_111, %broadcast_in_dim3A_112 : vector<16xi1>, vector<16xi32>
        %add3A_114 = vector.broadcast %add3A_108 : i32 to vector<16xi32>
        %add3A_115 = arith.addi %add3A_114, %select_n3A_113 : vector<16xi32>
        tpu.vector_store_idx %arg7[%and3A_9, %add3A_115], %gather3A_102 : memref<8x4096xf32, #tpu.memory_space<vmem>>[vector<16xi32>, vector<16xi32>], vector<16xf32>,
        %jit3A_116 = arith.constant 6 : i32
        %jit3A_117 = arith.constant 7 : i32
        %broadcast_in_dim3A_118 = vector.broadcast %jit3A_116 : i32 to vector<16xi32>
        %broadcast_in_dim3A_119 = vector.broadcast %jit3A_117 : i32 to vector<16xi32>
        %select_n3A_120 = arith.select %lt3A_11, %broadcast_in_dim3A_118, %broadcast_in_dim3A_119 : vector<16xi1>, vector<16xi32>
        %slice3A_121 = vector.extract_strided_slice %and3A_40 {offsets = [6], sizes = [1], strides = [1]} : vector<16xi32> to vector<1xi32>
        %squeeze3A_122 = vector.extract %slice3A_121[0] : i32 from vector<1xi32>
        %slice3A_123 = vector.extract_strided_slice %and3A_40 {offsets = [7], sizes = [1], strides = [1]} : vector<16xi32> to vector<1xi32>
        %squeeze3A_124 = vector.extract %slice3A_123[0] : i32 from vector<1xi32>
        %broadcast_in_dim3A_125 = vector.broadcast %squeeze3A_122 : i32 to vector<16xi32>
        %broadcast_in_dim3A_126 = vector.broadcast %squeeze3A_124 : i32 to vector<16xi32>
        %select_n3A_127 = arith.select %lt3A_11, %broadcast_in_dim3A_125, %broadcast_in_dim3A_126 : vector<16xi1>, vector<16xi32>
        %broadcast_in_dim3A_128 = vector.broadcast %and3A_27 : i32 to vector<16xi32>
        %gather3A_129 = tpu.vector_load_idx %arg6[%broadcast_in_dim3A_128, %select_n3A_120, %and3A_9, %select_n3A_127] : memref<2x32x8x128xf32, #tpu.memory_space<vmem>>[vector<16xi32>, vector<16xi32>, vector<16xi32>, vector<16xi32>], vector<16xf32>,
        %mul3A_130 = arith.constant 32 : i32
        %mul3A_131 = arith.muli %sub3A_25, %mul3A_130 : i32
        %add3A_132 = arith.constant 0 : i32
        %add3A_133 = arith.addi %mul3A_131, %add3A_132 : i32
        %add3A_134 = arith.constant 6 : i32
        %add3A_135 = arith.addi %add3A_133, %add3A_134 : i32
        %jit3A_136 = arith.constant 0 : i32
        %jit3A_137 = arith.constant 1 : i32
        %broadcast_in_dim3A_138 = vector.broadcast %jit3A_136 : i32 to vector<16xi32>
        %broadcast_in_dim3A_139 = vector.broadcast %jit3A_137 : i32 to vector<16xi32>
        %select_n3A_140 = arith.select %lt3A_11, %broadcast_in_dim3A_138, %broadcast_in_dim3A_139 : vector<16xi1>, vector<16xi32>
        %add3A_141 = vector.broadcast %add3A_135 : i32 to vector<16xi32>
        %add3A_142 = arith.addi %add3A_141, %select_n3A_140 : vector<16xi32>
        tpu.vector_store_idx %arg7[%and3A_9, %add3A_142], %gather3A_129 : memref<8x4096xf32, #tpu.memory_space<vmem>>[vector<16xi32>, vector<16xi32>], vector<16xf32>,
        %jit3A_143 = arith.constant 8 : i32
        %jit3A_144 = arith.constant 9 : i32
        %broadcast_in_dim3A_145 = vector.broadcast %jit3A_143 : i32 to vector<16xi32>
        %broadcast_in_dim3A_146 = vector.broadcast %jit3A_144 : i32 to vector<16xi32>
        %select_n3A_147 = arith.select %lt3A_11, %broadcast_in_dim3A_145, %broadcast_in_dim3A_146 : vector<16xi1>, vector<16xi32>
        %slice3A_148 = vector.extract_strided_slice %and3A_40 {offsets = [8], sizes = [1], strides = [1]} : vector<16xi32> to vector<1xi32>
        %squeeze3A_149 = vector.extract %slice3A_148[0] : i32 from vector<1xi32>
        %slice3A_150 = vector.extract_strided_slice %and3A_40 {offsets = [9], sizes = [1], strides = [1]} : vector<16xi32> to vector<1xi32>
        %squeeze3A_151 = vector.extract %slice3A_150[0] : i32 from vector<1xi32>
        %broadcast_in_dim3A_152 = vector.broadcast %squeeze3A_149 : i32 to vector<16xi32>
        %broadcast_in_dim3A_153 = vector.broadcast %squeeze3A_151 : i32 to vector<16xi32>
        %select_n3A_154 = arith.select %lt3A_11, %broadcast_in_dim3A_152, %broadcast_in_dim3A_153 : vector<16xi1>, vector<16xi32>
        %broadcast_in_dim3A_155 = vector.broadcast %and3A_27 : i32 to vector<16xi32>
        %gather3A_156 = tpu.vector_load_idx %arg6[%broadcast_in_dim3A_155, %select_n3A_147, %and3A_9, %select_n3A_154] : memref<2x32x8x128xf32, #tpu.memory_space<vmem>>[vector<16xi32>, vector<16xi32>, vector<16xi32>, vector<16xi32>], vector<16xf32>,
        %mul3A_157 = arith.constant 32 : i32
        %mul3A_158 = arith.muli %sub3A_25, %mul3A_157 : i32
        %add3A_159 = arith.constant 0 : i32
        %add3A_160 = arith.addi %mul3A_158, %add3A_159 : i32
        %add3A_161 = arith.constant 8 : i32
        %add3A_162 = arith.addi %add3A_160, %add3A_161 : i32
        %jit3A_163 = arith.constant 0 : i32
        %jit3A_164 = arith.constant 1 : i32
        %broadcast_in_dim3A_165 = vector.broadcast %jit3A_163 : i32 to vector<16xi32>
        %broadcast_in_dim3A_166 = vector.broadcast %jit3A_164 : i32 to vector<16xi32>
        %select_n3A_167 = arith.select %lt3A_11, %broadcast_in_dim3A_165, %broadcast_in_dim3A_166 : vector<16xi1>, vector<16xi32>
        %add3A_168 = vector.broadcast %add3A_162 : i32 to vector<16xi32>
        %add3A_169 = arith.addi %add3A_168, %select_n3A_167 : vector<16xi32>
        tpu.vector_store_idx %arg7[%and3A_9, %add3A_169], %gather3A_156 : memref<8x4096xf32, #tpu.memory_space<vmem>>[vector<16xi32>, vector<16xi32>], vector<16xf32>,
        %jit3A_170 = arith.constant 10 : i32
        %jit3A_171 = arith.constant 11 : i32
        %broadcast_in_dim3A_172 = vector.broadcast %jit3A_170 : i32 to vector<16xi32>
        %broadcast_in_dim3A_173 = vector.broadcast %jit3A_171 : i32 to vector<16xi32>
        %select_n3A_174 = arith.select %lt3A_11, %broadcast_in_dim3A_172, %broadcast_in_dim3A_173 : vector<16xi1>, vector<16xi32>
        %slice3A_175 = vector.extract_strided_slice %and3A_40 {offsets = [10], sizes = [1], strides = [1]} : vector<16xi32> to vector<1xi32>
        %squeeze3A_176 = vector.extract %slice3A_175[0] : i32 from vector<1xi32>
        %slice3A_177 = vector.extract_strided_slice %and3A_40 {offsets = [11], sizes = [1], strides = [1]} : vector<16xi32> to vector<1xi32>
        %squeeze3A_178 = vector.extract %slice3A_177[0] : i32 from vector<1xi32>
        %broadcast_in_dim3A_179 = vector.broadcast %squeeze3A_176 : i32 to vector<16xi32>
        %broadcast_in_dim3A_180 = vector.broadcast %squeeze3A_178 : i32 to vector<16xi32>
        %select_n3A_181 = arith.select %lt3A_11, %broadcast_in_dim3A_179, %broadcast_in_dim3A_180 : vector<16xi1>, vector<16xi32>
        %broadcast_in_dim3A_182 = vector.broadcast %and3A_27 : i32 to vector<16xi32>
        %gather3A_183 = tpu.vector_load_idx %arg6[%broadcast_in_dim3A_182, %select_n3A_174, %and3A_9, %select_n3A_181] : memref<2x32x8x128xf32, #tpu.memory_space<vmem>>[vector<16xi32>, vector<16xi32>, vector<16xi32>, vector<16xi32>], vector<16xf32>,
        %mul3A_184 = arith.constant 32 : i32
        %mul3A_185 = arith.muli %sub3A_25, %mul3A_184 : i32
        %add3A_186 = arith.constant 0 : i32
        %add3A_187 = arith.addi %mul3A_185, %add3A_186 : i32
        %add3A_188 = arith.constant 10 : i32
        %add3A_189 = arith.addi %add3A_187, %add3A_188 : i32
        %jit3A_190 = arith.constant 0 : i32
        %jit3A_191 = arith.constant 1 : i32
        %broadcast_in_dim3A_192 = vector.broadcast %jit3A_190 : i32 to vector<16xi32>
        %broadcast_in_dim3A_193 = vector.broadcast %jit3A_191 : i32 to vector<16xi32>
        %select_n3A_194 = arith.select %lt3A_11, %broadcast_in_dim3A_192, %broadcast_in_dim3A_193 : vector<16xi1>, vector<16xi32>
        %add3A_195 = vector.broadcast %add3A_189 : i32 to vector<16xi32>
        %add3A_196 = arith.addi %add3A_195, %select_n3A_194 : vector<16xi32>
        tpu.vector_store_idx %arg7[%and3A_9, %add3A_196], %gather3A_183 : memref<8x4096xf32, #tpu.memory_space<vmem>>[vector<16xi32>, vector<16xi32>], vector<16xf32>,
        %jit3A_197 = arith.constant 12 : i32
        %jit3A_198 = arith.constant 13 : i32
        %broadcast_in_dim3A_199 = vector.broadcast %jit3A_197 : i32 to vector<16xi32>
        %broadcast_in_dim3A_200 = vector.broadcast %jit3A_198 : i32 to vector<16xi32>
        %select_n3A_201 = arith.select %lt3A_11, %broadcast_in_dim3A_199, %broadcast_in_dim3A_200 : vector<16xi1>, vector<16xi32>
        %slice3A_202 = vector.extract_strided_slice %and3A_40 {offsets = [12], sizes = [1], strides = [1]} : vector<16xi32> to vector<1xi32>
        %squeeze3A_203 = vector.extract %slice3A_202[0] : i32 from vector<1xi32>
        %slice3A_204 = vector.extract_strided_slice %and3A_40 {offsets = [13], sizes = [1], strides = [1]} : vector<16xi32> to vector<1xi32>
        %squeeze3A_205 = vector.extract %slice3A_204[0] : i32 from vector<1xi32>
        %broadcast_in_dim3A_206 = vector.broadcast %squeeze3A_203 : i32 to vector<16xi32>
        %broadcast_in_dim3A_207 = vector.broadcast %squeeze3A_205 : i32 to vector<16xi32>
        %select_n3A_208 = arith.select %lt3A_11, %broadcast_in_dim3A_206, %broadcast_in_dim3A_207 : vector<16xi1>, vector<16xi32>
        %broadcast_in_dim3A_209 = vector.broadcast %and3A_27 : i32 to vector<16xi32>
        %gather3A_210 = tpu.vector_load_idx %arg6[%broadcast_in_dim3A_209, %select_n3A_201, %and3A_9, %select_n3A_208] : memref<2x32x8x128xf32, #tpu.memory_space<vmem>>[vector<16xi32>, vector<16xi32>, vector<16xi32>, vector<16xi32>], vector<16xf32>,
        %mul3A_211 = arith.constant 32 : i32
        %mul3A_212 = arith.muli %sub3A_25, %mul3A_211 : i32
        %add3A_213 = arith.constant 0 : i32
        %add3A_214 = arith.addi %mul3A_212, %add3A_213 : i32
        %add3A_215 = arith.constant 12 : i32
        %add3A_216 = arith.addi %add3A_214, %add3A_215 : i32
        %jit3A_217 = arith.constant 0 : i32
        %jit3A_218 = arith.constant 1 : i32
        %broadcast_in_dim3A_219 = vector.broadcast %jit3A_217 : i32 to vector<16xi32>
        %broadcast_in_dim3A_220 = vector.broadcast %jit3A_218 : i32 to vector<16xi32>
        %select_n3A_221 = arith.select %lt3A_11, %broadcast_in_dim3A_219, %broadcast_in_dim3A_220 : vector<16xi1>, vector<16xi32>
        %add3A_222 = vector.broadcast %add3A_216 : i32 to vector<16xi32>
        %add3A_223 = arith.addi %add3A_222, %select_n3A_221 : vector<16xi32>
        tpu.vector_store_idx %arg7[%and3A_9, %add3A_223], %gather3A_210 : memref<8x4096xf32, #tpu.memory_space<vmem>>[vector<16xi32>, vector<16xi32>], vector<16xf32>,
        %jit3A_224 = arith.constant 14 : i32
        %jit3A_225 = arith.constant 15 : i32
        %broadcast_in_dim3A_226 = vector.broadcast %jit3A_224 : i32 to vector<16xi32>
        %broadcast_in_dim3A_227 = vector.broadcast %jit3A_225 : i32 to vector<16xi32>
        %select_n3A_228 = arith.select %lt3A_11, %broadcast_in_dim3A_226, %broadcast_in_dim3A_227 : vector<16xi1>, vector<16xi32>
        %slice3A_229 = vector.extract_strided_slice %and3A_40 {offsets = [14], sizes = [1], strides = [1]} : vector<16xi32> to vector<1xi32>
        %squeeze3A_230 = vector.extract %slice3A_229[0] : i32 from vector<1xi32>
        %slice3A_231 = vector.extract_strided_slice %and3A_40 {offsets = [15], sizes = [1], strides = [1]} : vector<16xi32> to vector<1xi32>
        %squeeze3A_232 = vector.extract %slice3A_231[0] : i32 from vector<1xi32>
        %broadcast_in_dim3A_233 = vector.broadcast %squeeze3A_230 : i32 to vector<16xi32>
        %broadcast_in_dim3A_234 = vector.broadcast %squeeze3A_232 : i32 to vector<16xi32>
        %select_n3A_235 = arith.select %lt3A_11, %broadcast_in_dim3A_233, %broadcast_in_dim3A_234 : vector<16xi1>, vector<16xi32>
        %broadcast_in_dim3A_236 = vector.broadcast %and3A_27 : i32 to vector<16xi32>
        %gather3A_237 = tpu.vector_load_idx %arg6[%broadcast_in_dim3A_236, %select_n3A_228, %and3A_9, %select_n3A_235] : memref<2x32x8x128xf32, #tpu.memory_space<vmem>>[vector<16xi32>, vector<16xi32>, vector<16xi32>, vector<16xi32>], vector<16xf32>,
        %mul3A_238 = arith.constant 32 : i32
        %mul3A_239 = arith.muli %sub3A_25, %mul3A_238 : i32
        %add3A_240 = arith.constant 0 : i32
        %add3A_241 = arith.addi %mul3A_239, %add3A_240 : i32
        %add3A_242 = arith.constant 14 : i32
        %add3A_243 = arith.addi %add3A_241, %add3A_242 : i32
        %jit3A_244 = arith.constant 0 : i32
        %jit3A_245 = arith.constant 1 : i32
        %broadcast_in_dim3A_246 = vector.broadcast %jit3A_244 : i32 to vector<16xi32>
        %broadcast_in_dim3A_247 = vector.broadcast %jit3A_245 : i32 to vector<16xi32>
        %select_n3A_248 = arith.select %lt3A_11, %broadcast_in_dim3A_246, %broadcast_in_dim3A_247 : vector<16xi1>, vector<16xi32>
        %add3A_249 = vector.broadcast %add3A_243 : i32 to vector<16xi32>
        %add3A_250 = arith.addi %add3A_249, %select_n3A_248 : vector<16xi32>
        tpu.vector_store_idx %arg7[%and3A_9, %add3A_250], %gather3A_237 : memref<8x4096xf32, #tpu.memory_space<vmem>>[vector<16xi32>, vector<16xi32>], vector<16xf32>,
        %mul3A_251 = arith.constant 32 : i32
        %mul3A_252 = arith.muli %sub3A_25, %mul3A_251 : i32
        %add3A_253 = arith.constant 16 : i32
        %add3A_254 = arith.addi %mul3A_252, %add3A_253 : i32
        %get3A_255 = arith.index_cast %add3A_254 : i32 to index
        %get3A_256 = tpu.vector_load %arg5[%get3A_255] {strides = array<i32>} : memref<4096xi32, #tpu.memory_space<vmem>>, vector<16xi32>,
        %and3A_257 = arith.constant 127 : i32
        %and3A_258 = vector.broadcast %and3A_257 : i32 to vector<16xi32>
        %and3A_259 = arith.andi %get3A_256, %and3A_258 : vector<16xi32>
        %jit3A_260 = arith.constant 16 : i32
        %jit3A_261 = arith.constant 17 : i32
        %broadcast_in_dim3A_262 = vector.broadcast %jit3A_260 : i32 to vector<16xi32>
        %broadcast_in_dim3A_263 = vector.broadcast %jit3A_261 : i32 to vector<16xi32>
        %select_n3A_264 = arith.select %lt3A_11, %broadcast_in_dim3A_262, %broadcast_in_dim3A_263 : vector<16xi1>, vector<16xi32>
        %slice3A_265 = vector.extract_strided_slice %and3A_259 {offsets = [0], sizes = [1], strides = [1]} : vector<16xi32> to vector<1xi32>
        %squeeze3A_266 = vector.extract %slice3A_265[0] : i32 from vector<1xi32>
        %slice3A_267 = vector.extract_strided_slice %and3A_259 {offsets = [1], sizes = [1], strides = [1]} : vector<16xi32> to vector<1xi32>
        %squeeze3A_268 = vector.extract %slice3A_267[0] : i32 from vector<1xi32>
        %broadcast_in_dim3A_269 = vector.broadcast %squeeze3A_266 : i32 to vector<16xi32>
        %broadcast_in_dim3A_270 = vector.broadcast %squeeze3A_268 : i32 to vector<16xi32>
        %select_n3A_271 = arith.select %lt3A_11, %broadcast_in_dim3A_269, %broadcast_in_dim3A_270 : vector<16xi1>, vector<16xi32>
        %broadcast_in_dim3A_272 = vector.broadcast %and3A_27 : i32 to vector<16xi32>
        %gather3A_273 = tpu.vector_load_idx %arg6[%broadcast_in_dim3A_272, %select_n3A_264, %and3A_9, %select_n3A_271] : memref<2x32x8x128xf32, #tpu.memory_space<vmem>>[vector<16xi32>, vector<16xi32>, vector<16xi32>, vector<16xi32>], vector<16xf32>,
        %mul3A_274 = arith.constant 32 : i32
        %mul3A_275 = arith.muli %sub3A_25, %mul3A_274 : i32
        %add3A_276 = arith.constant 16 : i32
        %add3A_277 = arith.addi %mul3A_275, %add3A_276 : i32
        %add3A_278 = arith.constant 0 : i32
        %add3A_279 = arith.addi %add3A_277, %add3A_278 : i32
        %jit3A_280 = arith.constant 0 : i32
        %jit3A_281 = arith.constant 1 : i32
        %broadcast_in_dim3A_282 = vector.broadcast %jit3A_280 : i32 to vector<16xi32>
        %broadcast_in_dim3A_283 = vector.broadcast %jit3A_281 : i32 to vector<16xi32>
        %select_n3A_284 = arith.select %lt3A_11, %broadcast_in_dim3A_282, %broadcast_in_dim3A_283 : vector<16xi1>, vector<16xi32>
        %add3A_285 = vector.broadcast %add3A_279 : i32 to vector<16xi32>
        %add3A_286 = arith.addi %add3A_285, %select_n3A_284 : vector<16xi32>
        tpu.vector_store_idx %arg7[%and3A_9, %add3A_286], %gather3A_273 : memref<8x4096xf32, #tpu.memory_space<vmem>>[vector<16xi32>, vector<16xi32>], vector<16xf32>,
        %jit3A_287 = arith.constant 18 : i32
        %jit3A_288 = arith.constant 19 : i32
        %broadcast_in_dim3A_289 = vector.broadcast %jit3A_287 : i32 to vector<16xi32>
        %broadcast_in_dim3A_290 = vector.broadcast %jit3A_288 : i32 to vector<16xi32>
        %select_n3A_291 = arith.select %lt3A_11, %broadcast_in_dim3A_289, %broadcast_in_dim3A_290 : vector<16xi1>, vector<16xi32>
        %slice3A_292 = vector.extract_strided_slice %and3A_259 {offsets = [2], sizes = [1], strides = [1]} : vector<16xi32> to vector<1xi32>
        %squeeze3A_293 = vector.extract %slice3A_292[0] : i32 from vector<1xi32>
        %slice3A_294 = vector.extract_strided_slice %and3A_259 {offsets = [3], sizes = [1], strides = [1]} : vector<16xi32> to vector<1xi32>
        %squeeze3A_295 = vector.extract %slice3A_294[0] : i32 from vector<1xi32>
        %broadcast_in_dim3A_296 = vector.broadcast %squeeze3A_293 : i32 to vector<16xi32>
        %broadcast_in_dim3A_297 = vector.broadcast %squeeze3A_295 : i32 to vector<16xi32>
        %select_n3A_298 = arith.select %lt3A_11, %broadcast_in_dim3A_296, %broadcast_in_dim3A_297 : vector<16xi1>, vector<16xi32>
        %broadcast_in_dim3A_299 = vector.broadcast %and3A_27 : i32 to vector<16xi32>
        %gather3A_300 = tpu.vector_load_idx %arg6[%broadcast_in_dim3A_299, %select_n3A_291, %and3A_9, %select_n3A_298] : memref<2x32x8x128xf32, #tpu.memory_space<vmem>>[vector<16xi32>, vector<16xi32>, vector<16xi32>, vector<16xi32>], vector<16xf32>,
        %mul3A_301 = arith.constant 32 : i32
        %mul3A_302 = arith.muli %sub3A_25, %mul3A_301 : i32
        %add3A_303 = arith.constant 16 : i32
        %add3A_304 = arith.addi %mul3A_302, %add3A_303 : i32
        %add3A_305 = arith.constant 2 : i32
        %add3A_306 = arith.addi %add3A_304, %add3A_305 : i32
        %jit3A_307 = arith.constant 0 : i32
        %jit3A_308 = arith.constant 1 : i32
        %broadcast_in_dim3A_309 = vector.broadcast %jit3A_307 : i32 to vector<16xi32>
        %broadcast_in_dim3A_310 = vector.broadcast %jit3A_308 : i32 to vector<16xi32>
        %select_n3A_311 = arith.select %lt3A_11, %broadcast_in_dim3A_309, %broadcast_in_dim3A_310 : vector<16xi1>, vector<16xi32>
        %add3A_312 = vector.broadcast %add3A_306 : i32 to vector<16xi32>
        %add3A_313 = arith.addi %add3A_312, %select_n3A_311 : vector<16xi32>
        tpu.vector_store_idx %arg7[%and3A_9, %add3A_313], %gather3A_300 : memref<8x4096xf32, #tpu.memory_space<vmem>>[vector<16xi32>, vector<16xi32>], vector<16xf32>,
        %jit3A_314 = arith.constant 20 : i32
        %jit3A_315 = arith.constant 21 : i32
        %broadcast_in_dim3A_316 = vector.broadcast %jit3A_314 : i32 to vector<16xi32>
        %broadcast_in_dim3A_317 = vector.broadcast %jit3A_315 : i32 to vector<16xi32>
        %select_n3A_318 = arith.select %lt3A_11, %broadcast_in_dim3A_316, %broadcast_in_dim3A_317 : vector<16xi1>, vector<16xi32>
        %slice3A_319 = vector.extract_strided_slice %and3A_259 {offsets = [4], sizes = [1], strides = [1]} : vector<16xi32> to vector<1xi32>
        %squeeze3A_320 = vector.extract %slice3A_319[0] : i32 from vector<1xi32>
        %slice3A_321 = vector.extract_strided_slice %and3A_259 {offsets = [5], sizes = [1], strides = [1]} : vector<16xi32> to vector<1xi32>
        %squeeze3A_322 = vector.extract %slice3A_321[0] : i32 from vector<1xi32>
        %broadcast_in_dim3A_323 = vector.broadcast %squeeze3A_320 : i32 to vector<16xi32>
        %broadcast_in_dim3A_324 = vector.broadcast %squeeze3A_322 : i32 to vector<16xi32>
        %select_n3A_325 = arith.select %lt3A_11, %broadcast_in_dim3A_323, %broadcast_in_dim3A_324 : vector<16xi1>, vector<16xi32>
        %broadcast_in_dim3A_326 = vector.broadcast %and3A_27 : i32 to vector<16xi32>
        %gather3A_327 = tpu.vector_load_idx %arg6[%broadcast_in_dim3A_326, %select_n3A_318, %and3A_9, %select_n3A_325] : memref<2x32x8x128xf32, #tpu.memory_space<vmem>>[vector<16xi32>, vector<16xi32>, vector<16xi32>, vector<16xi32>], vector<16xf32>,
        %mul3A_328 = arith.constant 32 : i32
        %mul3A_329 = arith.muli %sub3A_25, %mul3A_328 : i32
        %add3A_330 = arith.constant 16 : i32
        %add3A_331 = arith.addi %mul3A_329, %add3A_330 : i32
        %add3A_332 = arith.constant 4 : i32
        %add3A_333 = arith.addi %add3A_331, %add3A_332 : i32
        %jit3A_334 = arith.constant 0 : i32
        %jit3A_335 = arith.constant 1 : i32
        %broadcast_in_dim3A_336 = vector.broadcast %jit3A_334 : i32 to vector<16xi32>
        %broadcast_in_dim3A_337 = vector.broadcast %jit3A_335 : i32 to vector<16xi32>
        %select_n3A_338 = arith.select %lt3A_11, %broadcast_in_dim3A_336, %broadcast_in_dim3A_337 : vector<16xi1>, vector<16xi32>
        %add3A_339 = vector.broadcast %add3A_333 : i32 to vector<16xi32>
        %add3A_340 = arith.addi %add3A_339, %select_n3A_338 : vector<16xi32>
        tpu.vector_store_idx %arg7[%and3A_9, %add3A_340], %gather3A_327 : memref<8x4096xf32, #tpu.memory_space<vmem>>[vector<16xi32>, vector<16xi32>], vector<16xf32>,
        %jit3A_341 = arith.constant 22 : i32
        %jit3A_342 = arith.constant 23 : i32
        %broadcast_in_dim3A_343 = vector.broadcast %jit3A_341 : i32 to vector<16xi32>
        %broadcast_in_dim3A_344 = vector.broadcast %jit3A_342 : i32 to vector<16xi32>
        %select_n3A_345 = arith.select %lt3A_11, %broadcast_in_dim3A_343, %broadcast_in_dim3A_344 : vector<16xi1>, vector<16xi32>
        %slice3A_346 = vector.extract_strided_slice %and3A_259 {offsets = [6], sizes = [1], strides = [1]} : vector<16xi32> to vector<1xi32>
        %squeeze3A_347 = vector.extract %slice3A_346[0] : i32 from vector<1xi32>
        %slice3A_348 = vector.extract_strided_slice %and3A_259 {offsets = [7], sizes = [1], strides = [1]} : vector<16xi32> to vector<1xi32>
        %squeeze3A_349 = vector.extract %slice3A_348[0] : i32 from vector<1xi32>
        %broadcast_in_dim3A_350 = vector.broadcast %squeeze3A_347 : i32 to vector<16xi32>
        %broadcast_in_dim3A_351 = vector.broadcast %squeeze3A_349 : i32 to vector<16xi32>
        %select_n3A_352 = arith.select %lt3A_11, %broadcast_in_dim3A_350, %broadcast_in_dim3A_351 : vector<16xi1>, vector<16xi32>
        %broadcast_in_dim3A_353 = vector.broadcast %and3A_27 : i32 to vector<16xi32>
        %gather3A_354 = tpu.vector_load_idx %arg6[%broadcast_in_dim3A_353, %select_n3A_345, %and3A_9, %select_n3A_352] : memref<2x32x8x128xf32, #tpu.memory_space<vmem>>[vector<16xi32>, vector<16xi32>, vector<16xi32>, vector<16xi32>], vector<16xf32>,
        %mul3A_355 = arith.constant 32 : i32
        %mul3A_356 = arith.muli %sub3A_25, %mul3A_355 : i32
        %add3A_357 = arith.constant 16 : i32
        %add3A_358 = arith.addi %mul3A_356, %add3A_357 : i32
        %add3A_359 = arith.constant 6 : i32
        %add3A_360 = arith.addi %add3A_358, %add3A_359 : i32
        %jit3A_361 = arith.constant 0 : i32
        %jit3A_362 = arith.constant 1 : i32
        %broadcast_in_dim3A_363 = vector.broadcast %jit3A_361 : i32 to vector<16xi32>
        %broadcast_in_dim3A_364 = vector.broadcast %jit3A_362 : i32 to vector<16xi32>
        %select_n3A_365 = arith.select %lt3A_11, %broadcast_in_dim3A_363, %broadcast_in_dim3A_364 : vector<16xi1>, vector<16xi32>
        %add3A_366 = vector.broadcast %add3A_360 : i32 to vector<16xi32>
        %add3A_367 = arith.addi %add3A_366, %select_n3A_365 : vector<16xi32>
        tpu.vector_store_idx %arg7[%and3A_9, %add3A_367], %gather3A_354 : memref<8x4096xf32, #tpu.memory_space<vmem>>[vector<16xi32>, vector<16xi32>], vector<16xf32>,
        %jit3A_368 = arith.constant 24 : i32
        %jit3A_369 = arith.constant 25 : i32
        %broadcast_in_dim3A_370 = vector.broadcast %jit3A_368 : i32 to vector<16xi32>
        %broadcast_in_dim3A_371 = vector.broadcast %jit3A_369 : i32 to vector<16xi32>
        %select_n3A_372 = arith.select %lt3A_11, %broadcast_in_dim3A_370, %broadcast_in_dim3A_371 : vector<16xi1>, vector<16xi32>
        %slice3A_373 = vector.extract_strided_slice %and3A_259 {offsets = [8], sizes = [1], strides = [1]} : vector<16xi32> to vector<1xi32>
        %squeeze3A_374 = vector.extract %slice3A_373[0] : i32 from vector<1xi32>
        %slice3A_375 = vector.extract_strided_slice %and3A_259 {offsets = [9], sizes = [1], strides = [1]} : vector<16xi32> to vector<1xi32>
        %squeeze3A_376 = vector.extract %slice3A_375[0] : i32 from vector<1xi32>
        %broadcast_in_dim3A_377 = vector.broadcast %squeeze3A_374 : i32 to vector<16xi32>
        %broadcast_in_dim3A_378 = vector.broadcast %squeeze3A_376 : i32 to vector<16xi32>
        %select_n3A_379 = arith.select %lt3A_11, %broadcast_in_dim3A_377, %broadcast_in_dim3A_378 : vector<16xi1>, vector<16xi32>
        %broadcast_in_dim3A_380 = vector.broadcast %and3A_27 : i32 to vector<16xi32>
        %gather3A_381 = tpu.vector_load_idx %arg6[%broadcast_in_dim3A_380, %select_n3A_372, %and3A_9, %select_n3A_379] : memref<2x32x8x128xf32, #tpu.memory_space<vmem>>[vector<16xi32>, vector<16xi32>, vector<16xi32>, vector<16xi32>], vector<16xf32>,
        %mul3A_382 = arith.constant 32 : i32
        %mul3A_383 = arith.muli %sub3A_25, %mul3A_382 : i32
        %add3A_384 = arith.constant 16 : i32
        %add3A_385 = arith.addi %mul3A_383, %add3A_384 : i32
        %add3A_386 = arith.constant 8 : i32
        %add3A_387 = arith.addi %add3A_385, %add3A_386 : i32
        %jit3A_388 = arith.constant 0 : i32
        %jit3A_389 = arith.constant 1 : i32
        %broadcast_in_dim3A_390 = vector.broadcast %jit3A_388 : i32 to vector<16xi32>
        %broadcast_in_dim3A_391 = vector.broadcast %jit3A_389 : i32 to vector<16xi32>
        %select_n3A_392 = arith.select %lt3A_11, %broadcast_in_dim3A_390, %broadcast_in_dim3A_391 : vector<16xi1>, vector<16xi32>
        %add3A_393 = vector.broadcast %add3A_387 : i32 to vector<16xi32>
        %add3A_394 = arith.addi %add3A_393, %select_n3A_392 : vector<16xi32>
        tpu.vector_store_idx %arg7[%and3A_9, %add3A_394], %gather3A_381 : memref<8x4096xf32, #tpu.memory_space<vmem>>[vector<16xi32>, vector<16xi32>], vector<16xf32>,
        %jit3A_395 = arith.constant 26 : i32
        %jit3A_396 = arith.constant 27 : i32
        %broadcast_in_dim3A_397 = vector.broadcast %jit3A_395 : i32 to vector<16xi32>
        %broadcast_in_dim3A_398 = vector.broadcast %jit3A_396 : i32 to vector<16xi32>
        %select_n3A_399 = arith.select %lt3A_11, %broadcast_in_dim3A_397, %broadcast_in_dim3A_398 : vector<16xi1>, vector<16xi32>
        %slice3A_400 = vector.extract_strided_slice %and3A_259 {offsets = [10], sizes = [1], strides = [1]} : vector<16xi32> to vector<1xi32>
        %squeeze3A_401 = vector.extract %slice3A_400[0] : i32 from vector<1xi32>
        %slice3A_402 = vector.extract_strided_slice %and3A_259 {offsets = [11], sizes = [1], strides = [1]} : vector<16xi32> to vector<1xi32>
        %squeeze3A_403 = vector.extract %slice3A_402[0] : i32 from vector<1xi32>
        %broadcast_in_dim3A_404 = vector.broadcast %squeeze3A_401 : i32 to vector<16xi32>
        %broadcast_in_dim3A_405 = vector.broadcast %squeeze3A_403 : i32 to vector<16xi32>
        %select_n3A_406 = arith.select %lt3A_11, %broadcast_in_dim3A_404, %broadcast_in_dim3A_405 : vector<16xi1>, vector<16xi32>
        %broadcast_in_dim3A_407 = vector.broadcast %and3A_27 : i32 to vector<16xi32>
        %gather3A_408 = tpu.vector_load_idx %arg6[%broadcast_in_dim3A_407, %select_n3A_399, %and3A_9, %select_n3A_406] : memref<2x32x8x128xf32, #tpu.memory_space<vmem>>[vector<16xi32>, vector<16xi32>, vector<16xi32>, vector<16xi32>], vector<16xf32>,
        %mul3A_409 = arith.constant 32 : i32
        %mul3A_410 = arith.muli %sub3A_25, %mul3A_409 : i32
        %add3A_411 = arith.constant 16 : i32
        %add3A_412 = arith.addi %mul3A_410, %add3A_411 : i32
        %add3A_413 = arith.constant 10 : i32
        %add3A_414 = arith.addi %add3A_412, %add3A_413 : i32
        %jit3A_415 = arith.constant 0 : i32
        %jit3A_416 = arith.constant 1 : i32
        %broadcast_in_dim3A_417 = vector.broadcast %jit3A_415 : i32 to vector<16xi32>
        %broadcast_in_dim3A_418 = vector.broadcast %jit3A_416 : i32 to vector<16xi32>
        %select_n3A_419 = arith.select %lt3A_11, %broadcast_in_dim3A_417, %broadcast_in_dim3A_418 : vector<16xi1>, vector<16xi32>
        %add3A_420 = vector.broadcast %add3A_414 : i32 to vector<16xi32>
        %add3A_421 = arith.addi %add3A_420, %select_n3A_419 : vector<16xi32>
        tpu.vector_store_idx %arg7[%and3A_9, %add3A_421], %gather3A_408 : memref<8x4096xf32, #tpu.memory_space<vmem>>[vector<16xi32>, vector<16xi32>], vector<16xf32>,
        %jit3A_422 = arith.constant 28 : i32
        %jit3A_423 = arith.constant 29 : i32
        %broadcast_in_dim3A_424 = vector.broadcast %jit3A_422 : i32 to vector<16xi32>
        %broadcast_in_dim3A_425 = vector.broadcast %jit3A_423 : i32 to vector<16xi32>
        %select_n3A_426 = arith.select %lt3A_11, %broadcast_in_dim3A_424, %broadcast_in_dim3A_425 : vector<16xi1>, vector<16xi32>
        %slice3A_427 = vector.extract_strided_slice %and3A_259 {offsets = [12], sizes = [1], strides = [1]} : vector<16xi32> to vector<1xi32>
        %squeeze3A_428 = vector.extract %slice3A_427[0] : i32 from vector<1xi32>
        %slice3A_429 = vector.extract_strided_slice %and3A_259 {offsets = [13], sizes = [1], strides = [1]} : vector<16xi32> to vector<1xi32>
        %squeeze3A_430 = vector.extract %slice3A_429[0] : i32 from vector<1xi32>
        %broadcast_in_dim3A_431 = vector.broadcast %squeeze3A_428 : i32 to vector<16xi32>
        %broadcast_in_dim3A_432 = vector.broadcast %squeeze3A_430 : i32 to vector<16xi32>
        %select_n3A_433 = arith.select %lt3A_11, %broadcast_in_dim3A_431, %broadcast_in_dim3A_432 : vector<16xi1>, vector<16xi32>
        %broadcast_in_dim3A_434 = vector.broadcast %and3A_27 : i32 to vector<16xi32>
        %gather3A_435 = tpu.vector_load_idx %arg6[%broadcast_in_dim3A_434, %select_n3A_426, %and3A_9, %select_n3A_433] : memref<2x32x8x128xf32, #tpu.memory_space<vmem>>[vector<16xi32>, vector<16xi32>, vector<16xi32>, vector<16xi32>], vector<16xf32>,
        %mul3A_436 = arith.constant 32 : i32
        %mul3A_437 = arith.muli %sub3A_25, %mul3A_436 : i32
        %add3A_438 = arith.constant 16 : i32
        %add3A_439 = arith.addi %mul3A_437, %add3A_438 : i32
        %add3A_440 = arith.constant 12 : i32
        %add3A_441 = arith.addi %add3A_439, %add3A_440 : i32
        %jit3A_442 = arith.constant 0 : i32
        %jit3A_443 = arith.constant 1 : i32
        %broadcast_in_dim3A_444 = vector.broadcast %jit3A_442 : i32 to vector<16xi32>
        %broadcast_in_dim3A_445 = vector.broadcast %jit3A_443 : i32 to vector<16xi32>
        %select_n3A_446 = arith.select %lt3A_11, %broadcast_in_dim3A_444, %broadcast_in_dim3A_445 : vector<16xi1>, vector<16xi32>
        %add3A_447 = vector.broadcast %add3A_441 : i32 to vector<16xi32>
        %add3A_448 = arith.addi %add3A_447, %select_n3A_446 : vector<16xi32>
        tpu.vector_store_idx %arg7[%and3A_9, %add3A_448], %gather3A_435 : memref<8x4096xf32, #tpu.memory_space<vmem>>[vector<16xi32>, vector<16xi32>], vector<16xf32>,
        %jit3A_449 = arith.constant 30 : i32
        %jit3A_450 = arith.constant 31 : i32
        %broadcast_in_dim3A_451 = vector.broadcast %jit3A_449 : i32 to vector<16xi32>
        %broadcast_in_dim3A_452 = vector.broadcast %jit3A_450 : i32 to vector<16xi32>
        %select_n3A_453 = arith.select %lt3A_11, %broadcast_in_dim3A_451, %broadcast_in_dim3A_452 : vector<16xi1>, vector<16xi32>
        %slice3A_454 = vector.extract_strided_slice %and3A_259 {offsets = [14], sizes = [1], strides = [1]} : vector<16xi32> to vector<1xi32>
        %squeeze3A_455 = vector.extract %slice3A_454[0] : i32 from vector<1xi32>
        %slice3A_456 = vector.extract_strided_slice %and3A_259 {offsets = [15], sizes = [1], strides = [1]} : vector<16xi32> to vector<1xi32>
        %squeeze3A_457 = vector.extract %slice3A_456[0] : i32 from vector<1xi32>
        %broadcast_in_dim3A_458 = vector.broadcast %squeeze3A_455 : i32 to vector<16xi32>
        %broadcast_in_dim3A_459 = vector.broadcast %squeeze3A_457 : i32 to vector<16xi32>
        %select_n3A_460 = arith.select %lt3A_11, %broadcast_in_dim3A_458, %broadcast_in_dim3A_459 : vector<16xi1>, vector<16xi32>
        %broadcast_in_dim3A_461 = vector.broadcast %and3A_27 : i32 to vector<16xi32>
        %gather3A_462 = tpu.vector_load_idx %arg6[%broadcast_in_dim3A_461, %select_n3A_453, %and3A_9, %select_n3A_460] : memref<2x32x8x128xf32, #tpu.memory_space<vmem>>[vector<16xi32>, vector<16xi32>, vector<16xi32>, vector<16xi32>], vector<16xf32>,
        %mul3A_463 = arith.constant 32 : i32
        %mul3A_464 = arith.muli %sub3A_25, %mul3A_463 : i32
        %add3A_465 = arith.constant 16 : i32
        %add3A_466 = arith.addi %mul3A_464, %add3A_465 : i32
        %add3A_467 = arith.constant 14 : i32
        %add3A_468 = arith.addi %add3A_466, %add3A_467 : i32
        %jit3A_469 = arith.constant 0 : i32
        %jit3A_470 = arith.constant 1 : i32
        %broadcast_in_dim3A_471 = vector.broadcast %jit3A_469 : i32 to vector<16xi32>
        %broadcast_in_dim3A_472 = vector.broadcast %jit3A_470 : i32 to vector<16xi32>
        %select_n3A_473 = arith.select %lt3A_11, %broadcast_in_dim3A_471, %broadcast_in_dim3A_472 : vector<16xi1>, vector<16xi32>
        %add3A_474 = vector.broadcast %add3A_468 : i32 to vector<16xi32>
        %add3A_475 = arith.addi %add3A_474, %select_n3A_473 : vector<16xi32>
        tpu.vector_store_idx %arg7[%and3A_9, %add3A_475], %gather3A_462 : memref<8x4096xf32, #tpu.memory_space<vmem>>[vector<16xi32>, vector<16xi32>], vector<16xf32>,
      } else {
      }
    }
    %scan3A_16 = arith.constant 129 : i32
    "tpu.region"() ({
      %run_scoped3A = tpu.sem_alloc : memref<!tpu.dma_semaphore, #tpu.memory_space<semaphore_mem>>
      %dma_start3A = tpu.memref_slice %arg4[%mul3A_4, %mul3A_6] : memref<64x16384xf32, #tpu.memory_space<hbm>> -> memref<8x4096xf32, #tpu.memory_space<hbm>>
      %dma_start3A_17 = tpu.memref_slice %arg4[%mul3A_4, %mul3A_6] : memref<64x16384xf32, #tpu.memory_space<hbm>> -> memref<8x4096xf32, #tpu.memory_space<hbm>>
      tpu.enqueue_dma source(%arg7 : memref<8x4096xf32, #tpu.memory_space<vmem>>) target(%dma_start3A_17 : memref<8x4096xf32, #tpu.memory_space<hbm>>) target_semaphore(%run_scoped3A : memref<!tpu.dma_semaphore, #tpu.memory_space<semaphore_mem>>)
      %dma_wait3A = tpu.memref_slice %arg4[%mul3A_4, %mul3A_6] : memref<64x16384xf32, #tpu.memory_space<hbm>> -> memref<8x4096xf32, #tpu.memory_space<hbm>>
      %dma_wait3A_18 = tpu.memref_slice %arg4[%mul3A_4, %mul3A_6] : memref<64x16384xf32, #tpu.memory_space<hbm>> -> memref<8x4096xf32, #tpu.memory_space<hbm>>
      tpu.wait_dma2 semaphore(%run_scoped3A : memref<!tpu.dma_semaphore, #tpu.memory_space<semaphore_mem>>) src(%arg7 : memref<8x4096xf32, #tpu.memory_space<vmem>>) dst(%dma_wait3A_18 : memref<8x4096xf32, #tpu.memory_space<hbm>>)
      tpu.yield
    }) : () -> ()
    return
  }
}

</mosaic_0001>

<sc_bundles>
// kernel: kernel.3.cloned.1.call-start
scs
__scs_entry_jumppad:
0x0: {  	(pc) =	sbr.rel $0x88, $3  }
0x1: {  	(tag) =	ssettag $0x0;
	lr =	simm.s32 $0x1  }
0x2: {  	[smem:$0x3F9F] =	sst lr;
	_ =	strace $0xD0000000  }
0x3: {  	_ = 	snop  }
0x4: {  	_ = 	snop  }
0x5: {  	_ = 	snop  }
0x6: {  	_ = 	snop  }
0x7: {  	_ = 	snop  }
__scs_overlays_trampoline_lowered:
0x8: {  	[smem:$0x3FAE] =	sst s0  }
0x9: {  	[smem:$0x3FAF] =	sst s1  }
0xa: {  	[smem:$0x3FB0] =	sst s2  }
0xb: {  	[smem:$0x3FB1] =	sst s3  }
0xc: {  	[smem:$0x3FB2] =	sst s4  }
0xd: {  	[smem:$0x3FB3] =	sst s5  }
0xe: {  	[smem:$0x3FB4] =	sst s6  }
0xf: {  	[smem:$0x3FB5] =	sst s7  }
0x10: {  	[smem:$0x3FB6] =	sst s8  }
0x11: {  	[smem:$0x3FB7] =	sst s9;
	s0 =	simm.s32 @!p0 $0x0  }
0x12: {  	s1 =	sld [smem:$0x3F9D];
	s0 =	simm.s32 @p0 $0x1  }
0x13: {  	[smem:$0x3FB8] =	sst s0;
	s0 =	simm.s32 @!p1 $0x0  }
0x14: {  	s2 =	sld [smem:$0x3F9C];
	s0 =	simm.s32 @p1 $0x1  }
0x15: {  	[smem:$0x3FB9] =	sst s0;
	s0 =	simm.s32 @!p2 $0x0  }
0x16: {  	s3 =	sld [smem:$0x3FDB];
	s0 =	simm.s32 @p2 $0x1  }
0x17: {  	s4 =	simm.s32 $0x1BF5;
	[smem:$0x3FBB] =	sst s0  }
0x18: {  	s0 =	sld [smem:$0x3F9E];
	_ =	swait.ge [sflag:s4], $0x0  }
0x19: {  	s7 =	sld [smem:$0x3F9F]  }
0x1a: {  	s8 =	sadd.s32 $0xFFFFE003, lr  }
0x1b: {  	s9 =	sadd.s32 $0xFFFFFEF7, lr;
	s5 =	simm.s32 $0xFFFFFFFF;
	p2 =	slt.u32 s8, $0xFFFFF086  }
0x1c: {  	p1 =	slt.u32 s9, $0xF7A;
	s5 =	simm.s32 @!p2 $0x0  }
0x1d: {  	s5 =	simm.s32 @p1 $0x1;
	p0 =	seq.s32 s7, s2  }
0x1e: {  	s7 =	smul.u32 @!p0 $0xF7A, s2;
	p2 =	seq.s32 @!p0 s5, $0x0  }
0x1f: {  	s9 =	smul.u32 $0xF7A, s1;
	s8 =	simm.s32 @!p0 $0x1BF5;
	p2 =	por !p2, p0  }
0x20: {  	[sflag:s8] =	ssyncset.s32 @!p0 $0xFFFFF086;
	s6 =	sadd.s32 @!p0 s3, s7;
	s7 =	simm.s32 @!p0 $0x108  }
0x21: {  	s3 =	sadd.s32 s3, s9;
	s6 =	sadd.s32 @!p0 $0x88, s6;
	s7 =	simm.s32 @p2 $0x1082  }
0x22: {  	[simem:s7], [sflag:s8] =	dma.local @!p0 [hbm:s6], $0xF7A  }
0x23: {  	s9 =	sor.u32 $0xD0000000, s2;
	s6 =	simm.s32 $0x108;
	_ =	swait.ge @!p0 [sflag:s8], $0x0  }
0x24: {  	s3 =	sadd.s32 $0x88, s3;
	s6 =	simm.s32 @!p1 $0x1082;
	[sflag:s4] =	ssyncset.s32 $0xFFFFF086  }
0x25: {  	[simem:s6], [sflag:s4] =	dma.local [hbm:s3], $0xF7A  }
0x26: {  	[smem:$0x3F9F] =	sst s1;
	(tag) =	ssettag s2;
	_ =	strace s9  }
0x27: {  	s1 =	sld [smem:$0x3FAF]  }
0x28: {  	s2 =	sld [smem:$0x3FB0]  }
0x29: {  	s4 =	sld [smem:$0x3FB2]  }
0x2a: {  	p0 =	seq.s32 s5, $0x0;
	s5 =	sld [smem:$0x3FB3]  }
0x2b: {  	s6 =	sld [smem:$0x3FB4]  }
0x2c: {  	s7 =	sld [smem:$0x3FB5]  }
0x2d: {  	s3 =	simm.s32 $0x108;
	s8 =	sld [smem:$0x3FB6]  }
0x2e: {  	s3 =	simm.s32 @!p0 $0x1082;
	s9 =	sld [smem:$0x3FB7]  }
0x2f: {  	lr =	sadd.s32 s0, s3;
	s0 =	sld [smem:$0x3FAE]  }
0x30: {  	s3 =	sld [smem:$0x3FB1]  }
0x31: {  	[smem:$0x3FBA] =	sst s10  }
0x32: {  	s10 =	sld [smem:$0x3FB8];
	_ =	sdelay $0x3  }
0x33: {  	p0 =	seq.s32 s10, $0x1;
	s10 =	sld [smem:$0x3FBA];
	_ =	sdelay $0x3  }
0x34: {  	[smem:$0x3FBA] =	sst s10  }
0x35: {  	s10 =	sld [smem:$0x3FB9];
	_ =	sdelay $0x3  }
0x36: {  	p1 =	seq.s32 s10, $0x1;
	s10 =	sld [smem:$0x3FBA];
	_ =	sdelay $0x3  }
0x37: {  	[smem:$0x3FBA] =	sst s10  }
0x38: {  	s10 =	sld [smem:$0x3FBB]  }
0x39: {  	_ = 	snop;
	(pc) =	sbr.ind lr, $3  }
0x3a: {  	_ = 	snop  }
0x3b: {  	_ = 	snop  }
0x3c: {  	p2 =	seq.s32 s10, $0x1;
	s10 =	sld [smem:$0x3FBA]  }
0x3d: {  	_ =	shalt  }
0x3e: {  	_ =	shalt  }
0x3f: {  	_ =	shalt  }
0x40: {  	_ =	shalt  }
0x41: {  	_ =	shalt  }
0x42: {  	_ =	shalt  }
0x43: {  	_ =	shalt  }
0x44: {  	_ =	shalt  }
0x45: {  	_ =	shalt  }
0x46: {  	_ =	shalt  }
0x47: {  	_ =	shalt  }
0x48: {  	_ =	shalt  }
0x49: {  	_ =	shalt  }
0x4a: {  	_ =	shalt  }
0x4b: {  	_ =	shalt  }
0x4c: {  	_ =	shalt  }
0x4d: {  	_ =	shalt  }
0x4e: {  	_ =	shalt  }
0x4f: {  	_ =	shalt  }
0x50: {  	_ =	shalt  }
0x51: {  	_ =	shalt  }
0x52: {  	_ =	shalt  }
0x53: {  	_ =	shalt  }
0x54: {  	_ =	shalt  }
0x55: {  	_ =	shalt  }
0x56: {  	_ =	shalt  }
0x57: {  	_ =	shalt  }
0x58: {  	_ =	shalt  }
0x59: {  	_ =	shalt  }
0x5a: {  	_ =	shalt  }
0x5b: {  	_ =	shalt  }
0x5c: {  	_ =	shalt  }
0x5d: {  	_ =	shalt  }
0x5e: {  	_ =	shalt  }
0x5f: {  	_ =	shalt  }
0x60: {  	_ =	shalt  }
0x61: {  	_ =	shalt  }
0x62: {  	_ =	shalt  }
0x63: {  	_ =	shalt  }
0x64: {  	_ =	shalt  }
0x65: {  	_ =	shalt  }
0x66: {  	_ =	shalt  }
0x67: {  	_ =	shalt  }
0x68: {  	_ =	shalt  }
0x69: {  	_ =	shalt  }
0x6a: {  	_ =	shalt  }
0x6b: {  	_ =	shalt  }
0x6c: {  	_ =	shalt  }
0x6d: {  	_ =	shalt  }
0x6e: {  	_ =	shalt  }
0x6f: {  	_ =	shalt  }
0x70: {  	_ =	shalt  }
0x71: {  	_ =	shalt  }
0x72: {  	_ =	shalt  }
0x73: {  	_ =	shalt  }
0x74: {  	_ =	shalt  }
0x75: {  	_ =	shalt  }
0x76: {  	_ =	shalt  }
0x77: {  	_ =	shalt  }
0x78: {  	_ =	shalt  }
0x79: {  	_ =	shalt  }
0x7a: {  	_ =	shalt  }
0x7b: {  	_ =	shalt  }
0x7c: {  	_ =	shalt  }
0x7d: {  	_ =	shalt  }
0x7e: {  	_ =	shalt  }
0x7f: {  	_ =	shalt  }
0x80: {  	_ =	shalt  }
0x81: {  	_ =	shalt  }
0x82: {  	_ =	shalt  }
0x83: {  	_ =	shalt  }
0x84: {  	_ =	shalt  }
0x85: {  	_ =	shalt  }
0x86: {  	_ =	shalt  }
0x87: {  	_ =	shalt  }
.Lfunc_end0:
.L_simem_size_0:
called_computation_lowered:
.L_overlay_start_0:
0x88: {  	s2 =	sld [smem:$0x3FD9]  }
0x89: {  	s3 =	sld [smem:$0x3FFE];
	_ =	sdelay $0x1  }
0x8a: {  	s1 =	srdreg.scid  }
0x8b: {  	s0 =	sand.u32 $0x1, s1  }
0x8c: {  	s18 =	sshll.u32 s0, $0xA;
	s2 =	sadd.s32 s3, s2  }
0x8d: {  	s2 =	sadd.s32 s2, s18  }
0x8e: {  	[smem:$0x3FC6] =	sst s2  }
0x8f: {  	_ = 	snop  }
0x90: {  	s2 =	sld [smem:$0x3FC9]  }
0x91: {  	s19 =	sld [smem:$0x3FC8]  }
0x92: {  	s4 =	sld [smem:$0x3FD0];
	(tm) =	ssettm $0x1  }
0x93: {  	s5 =	sld [smem:$0x3FFB];
	_ =	sdelay $0x3  }
0x94: {  	_ =	strace s5  }
0x95: {  	s5 =	sld [smem:$0x3FFC];
	_ =	sdelay $0x3  }
0x96: {  	_ =	strace s5  }
0x97: {  	s5 =	sld [smem:$0x3FFD];
	_ =	sdelay $0x3  }
0x98: {  	_ =	strace s5  }
0x99: {  	_ =	strace $0x8FFFFFFF  }
0x9a: {  	s20 =	sld [smem:$0x3FDB];
	_ =	sdelay $0x1  }
0x9b: {  	s6 =	simm.s32 $_scs_section_size  }
0x9c: {  	s7 =	simm.s32 $_size__tile_overlayer_lowered;
	s8 =	simm.s32 $_tile_overlayer_lowered  }
0x9d: {  	s23 =	simm.s32 $0x1BFF;
	s22 =	sshll.u32 s8, $0x1;
	s5 =	sadd.s32 s6, s20  }
0x9e: {  	s9 =	simm.s32 $0x0;
	s21 =	sshll.u32 s7, $0x1;
	s7 =	sadd.s32 s22, s5  }
0x9f: {  	[timem:s9], [sflag:s23] =	dma.local [hbm:s7], s21  }
0xa0: {  	_ =	swait.ge [sflag:s23], s21  }
0xa1: {  	s6 =	ssub.s32 $0x0, s21;
	[sflag:s23] =	ssyncset.done $0x0  }
0xa2: {  	[sflag:s23] =	ssyncadd.s32 s6;
	_ =	sdelay $0x1  }
0xa3: {  	s24 =	simm.s32 $0x1B8B  }
0xa4: {  	_ =	swait.ge [sflag:s24], $0x1  }
0xa5: {  	[sflag:s24] =	ssyncset.done $0x0  }
0xa6: {  	s25 =	simm.s32 $0x1B8E;
	[sflag:s24] =	ssyncadd.s32 $0xFFFFFFFF  }
0xa7: {  	s26 =	simm.s32 $execute0_lowered;
	[smem:$0x3FD2] =	sst s25  }
0xa8: {  	s6 =	sshll.u32 s26, $0x1;
	_ =	strace $0x80000046;
	[dreg:$0x1] =	wrdreg $0xFFFFFFFF  }
0xa9: {  	s28 =	simm.s32 $_size_execute0_lowered;
	s5 =	sadd.s32 s5, s6;
	[dreg:$0x0] =	wrdreg $0x0  }
0xaa: {  	s6 =	sshll.u32 s28, $0x1;
	[dreg:$0x2] =	wrdreg s5  }
0xab: {  	[dreg:$0x3] =	wrdreg s6  }
0xac: {  	[dreg:$0x4] =	wrdreg $0xC0  }
0xad: {  	_ =	task [dreg:s9], $0x5FFFF  }
0xae: {  	[dreg:$0x1] =	wrdreg $0xFFFFFFFF  }
0xaf: {  	[dreg:$0x0] =	wrdreg $0x60  }
0xb0: {  	[dreg:$0x2] =	wrdreg s2  }
0xb1: {  	[dreg:$0x3] =	wrdreg s19  }
0xb2: {  	[dreg:$0x4] =	wrdreg s4  }
0xb3: {  	[dreg:$0x5] =	wrdreg $0x9  }
0xb4: {  	_ =	task.clear_ibuf [dreg:s9], $0x6FFFF;
	_ =	strace $0x90000046  }
0xb5: {  	s29 =	simm.s32 $0x9;
	_ =	strace $0x80000048  }
0xb6: {  	_ =	swait.ge [sflag:s29], $0x1  }
0xb7: {  	[sflag:s29] =	ssyncadd.s32 $0xFFFFFFFF  }
0xb8: {  	_ =	strace $0x90000048  }
0xb9: {  	_ =	sfence  }
0xba: {  	s30 =	sld [smem:$0x0];
	_ =	sdelay $0x2  }
0xbb: {  	s31 =	sshll.u32 s1, $0xD;
	s1 =	sshrl.u32 s1, $0x2  }
0xbc: {  	s3 =	sand.u32 $0x4000, s31;
	s1 =	sadd.s32 s1, s30  }
0xbd: {  	s0 =	sor.u32 s3, s0;
	s1 =	sshll.u32 s1, $0x11  }
0xbe: {  	s0 =	sor.u32 s1, s0  }
0xbf: {  	s0 =	sadd.s32 $0x8F2B, s0  }
0xc0: {  	[sflag:s0] =	ssyncadd.remote.s32 $0x1  }
0xc1: {  	_ =	sfence.sel $0xFFFF  }
0xc2: {  	[dreg:$0x0] =	wrdreg $0xFFFFFFFF;
	(pc) =	sbr.abs _section_cstart, $3  }
0xc3: {  	[dreg:$0x1] =	wrdreg $0xFFFFFFFF  }
0xc4: {  	_ =	task.clear_ibuf [dreg:s9], $0x2FFFF;
	_ =	strace $0x9FFFFFFF  }
0xc5: {  	(tm) =	ssettm $0x7FFFFFFF  }
tec
execute0_lowered:
.L_overlay_start_1:
0x0: {  	(tag) =	ssettag $0x1  }
0x1: {  	s4 =	rddreg [dreg:$0x0]  }
0x2: {  	s1 =	rddreg [dreg:$0x1]  }
0x3: {  	s5 =	rddreg [dreg:$0x2];
	s3 =	srdreg.scid  }
0x4: {  	s0 =	rddreg [dreg:$0x3];
	s2 =	simm.s32 $0x0;
	s11 =	simm.s32 $0x11000  }
0x5: {  	s12 =	simm.s32 $0x0;
	s6 =	sand.u32 $0x1, s3;
	s3 =	stileid.u32  }
0x6: {  	v1 =	vlaneseq.u32;
	[smem:$0x7FF] =	sst s2;
	s7 =	ssub.s32 $0x2, s6;
	s30 =	sshll.u32 s3, $0x4  }
0x7: {  	v0 =	vmul.u32 $0x80, v1;
	v2 =	vand.u32 $0x7, v1;
	s9 =	sshll.u32 s3, $0x3;
	s6 =	sshll.u32 s6, $0x3;
	s8 =	sshrl.u32 s7, $0x1  }
0x8: {  	vm0 =	vmmov $0xff;
	v1 =	vshrl.u32 v1, $0x3;
	v2 =	vmul.u32 $0x80, v2;
	s9 =	sand.u32 $0x60, s9;
	s7 =	ssub.s32 s7, s8;
	s8 =	sand.u32 $0x30, s30  }
.Ltmp0:
0x9: {  	v3 =	vor.u32 $0x800, v0;
	v4 =	vor.u32 $0x1000, v0;
	v5 =	vor.u32 $0x1800, v0;
	s31 =	sshll.u32 s9, $0x4;
	s9 =	sshll.u32 s9, $0x7;
	(pc) =	sbr.rel .LBB2_1-.Ltmp0, $4  }
0xa: {  	_ =	strace $0x80000047;
	v6 =	vor.u32 $0x2000, v0;
	v7 =	vor.u32 $0x2800, v0;
	v8 =	vor.u32 $0x3000, v0;
	s6 =	sor.u32 s6, s8;
	s9 =	sadd.s32 s5, s9  }
0xb: {  	v9 =	vor.u32 $0x3800, v0;
	v10 =	vor.u32 $0x4000, v0;
	v11 =	vor.u32 $0x4800, v0;
	s4 =	sadd.s32 s4, s31;
	s7 =	smax.u32 s7, $0x1;
	s10 =	sshrl.u32 s6, $0x3  }
0xc: {  	v12 =	vor.u32 $0x5000, v0;
	v13 =	vor.u32 $0x5800, v0;
	v14 =	vor.u32 $0x6000, v0;
	s8 =	simm.s32 $0x2;
	s6 =	sshll.u32 s6, $0xB;
	s5 =	smul.u32 $0x7A1400, s10  }
0xd: {  	v15 =	vor.u32 $0x6800, v0;
	v16 =	vor.u32 $0x7000, v0;
	v17 =	vor.u32 $0x7800, v0;
	s6 =	sadd.s32 s6, s9;
	s9 =	simm.s32 $0x1;
	s10 =	simm.s32 $0x1000  }
.LBB2_6:
0xe: {  	s12 =	sadd.s32 $0x1, s12  }
0xf: {  	p0 =	sne.s32 s12, s7  }
.Ltmp1:
0x10: {  	_ = 	snop;
	(pc) =	sbr.rel @!p0 .LBB2_7-.Ltmp1, $4  }
0x11: {  	[hbm4b:s6+s2] =	stream.linear.scatter [tilespmem:s11], [sflag:$0x2], $0x8000, $0x38;
	[tilespmem:$0x19000] =	vst v63  }
0x12: {  	_ =	swait.ge [sflag:s8], $0x8000  }
0x13: {  	[sflag:s8] =	ssyncset.done $0x0  }
0x14: {  	[sflag:s8] =	ssyncadd.s32 $0xFFFF8000  }
.LBB2_1:
.Ltmp2:
0x15: {  	(pc) =	sbr.rel .LBB2_2-.Ltmp2, $4  }
0x16: {  	[tilespmem:s2], [sflag:$0x2] =	stream.linear.gather [hbm4b:s4+s2], $0x1000, $0x38;
	[tilespmem:$0x19000] =	vst v63  }
0x17: {  	_ =	swait.ge [sflag:s8], $0x1000  }
0x18: {  	s13 =	simm.s32 $0xFFFFFFE0;
	s14 =	simm.s32 $0xFFFFFFFF;
	[sflag:s8] =	ssyncset.done $0x0  }
0x19: {  	s15 =	simm.s32 $0x0;
	s16 =	simm.s32 $0x0;
	[sflag:s8] =	ssyncadd.s32 $0xFFFFF000  }
.LBB2_4:
0x1a: {  	_ =	swait.ge [sflag:s9], $0x8000  }
0x1b: {  	[sflag:s9] =	ssyncset.done $0x0  }
0x1c: {  	[sflag:s9] =	ssyncadd.s32 $0xFFFF8000  }
0x1d: {  	v18 =	vld [tilespmem:s15+$0xFFFFFFE0];
	_ =	sdelay $0x4  }
0x1e: {  	v18 =	vand.u32 $0x7F, v18  }
0x1f: {  	v19 =	vbroadcast v18, $0x0;
	v20 =	vbroadcast v18, $0x1  }
0x20: {  	s17 =	sand.u32 $0x1, s14  }
0x21: {  	s17 =	sshll.u32 s17, $0xF;
	v19 =	vsel vm0, v19, v20  }
0x22: {  	v19 =	vor.u32 s17, v19  }
0x23: {  	v19 =	vor.u32 v0, v19  }
0x24: {  	v36 =	vmov s13;
	v21 =	vor.u32 s13, v1  }
0x25: {  	v22 =	vbroadcast v18, $0x2;
	v23 =	vbroadcast v18, $0x3;
	v20 =	vshll.u32 v36, $0x3  }
0x26: {  	v21 =	vand.u32 $0x61, v21;
	v20 =	vand.u32 $0xFFFFFC00, v20  }
0x27: {  	v37 =	vsel vm0, v22, v23;
	v20 =	vor.u32 v21, v20  }
0x28: {  	v21 =	vor.u32 s17, v37;
	v20 =	vor.u32 v2, v20;
	v19 =	vld.idx.msk [tilespmem:v19+s10+$0x0], $0xffff  }
0x29: {  	s18 =	sadd.s32 $0x2, s13;
	v21 =	vor.u32 v3, v21  }
0x2a: {  	v38 =	vmov s18;
	v39 =	vor.u32 s18, v1  }
0x2b: {  	v24 =	vbroadcast v18, $0x4;
	v25 =	vbroadcast v18, $0x5;
	v22 =	vshll.u32 v38, $0x3  }
0x2c: {  	v23 =	vand.u32 $0x63, v39;
	v22 =	vand.u32 $0xFFFFFC00, v22  }
0x2d: {  	v40 =	vsel vm0, v24, v25;
	[tilespmem:v20+s11+$0x0] =	vst.idx.msk $0xffff, v19;
	v19 =	vor.u32 v23, v22  }
0x2e: {  	v20 =	vor.u32 s17, v40;
	v21 =	vld.idx.msk [tilespmem:v21+s10+$0x0], $0xffff;
	v19 =	vor.u32 v2, v19  }
0x2f: {  	s30 =	sadd.s32 $0x4, s13;
	v20 =	vor.u32 v4, v20  }
0x30: {  	v41 =	vmov s30;
	v42 =	vor.u32 s30, v1  }
0x31: {  	v43 =	vbroadcast v18, $0x6;
	v44 =	vbroadcast v18, $0x7;
	v22 =	vshll.u32 v41, $0x3  }
0x32: {  	v23 =	vand.u32 $0x65, v42;
	v22 =	vand.u32 $0xFFFFFC00, v22  }
0x33: {  	v45 =	vsel vm0, v43, v44;
	[tilespmem:v19+s11+$0x0] =	vst.idx.msk $0xffff, v21;
	v19 =	vor.u32 v23, v22  }
0x34: {  	v21 =	vor.u32 s17, v45;
	v20 =	vld.idx.msk [tilespmem:v20+s10+$0x0], $0xffff;
	v19 =	vor.u32 v2, v19  }
0x35: {  	s31 =	sadd.s32 $0x6, s13;
	v21 =	vor.u32 v5, v21  }
0x36: {  	v46 =	vmov s31;
	v47 =	vor.u32 s31, v1  }
0x37: {  	v48 =	vbroadcast v18, $0x8;
	v49 =	vbroadcast v18, $0x9;
	v22 =	vshll.u32 v46, $0x3  }
0x38: {  	v23 =	vand.u32 $0x67, v47;
	v22 =	vand.u32 $0xFFFFFC00, v22  }
0x39: {  	v50 =	vsel vm0, v48, v49;
	[tilespmem:v19+s11+$0x0] =	vst.idx.msk $0xffff, v20;
	v19 =	vor.u32 v23, v22  }
0x3a: {  	v20 =	vor.u32 s17, v50;
	v21 =	vld.idx.msk [tilespmem:v21+s10+$0x0], $0xffff;
	v19 =	vor.u32 v2, v19  }
0x3b: {  	s19 =	sadd.s32 $0x8, s13;
	v20 =	vor.u32 v6, v20  }
0x3c: {  	v51 =	vmov s19;
	v52 =	vor.u32 s19, v1  }
0x3d: {  	v53 =	vbroadcast v18, $0xA;
	v54 =	vbroadcast v18, $0xB;
	v22 =	vshll.u32 v51, $0x3  }
0x3e: {  	v23 =	vand.u32 $0x69, v52;
	v22 =	vand.u32 $0xFFFFFC00, v22  }
0x3f: {  	v55 =	vsel vm0, v53, v54;
	[tilespmem:v19+s11+$0x0] =	vst.idx.msk $0xffff, v21;
	v19 =	vor.u32 v23, v22  }
0x40: {  	v21 =	vor.u32 s17, v55;
	v20 =	vld.idx.msk [tilespmem:v20+s10+$0x0], $0xffff;
	v19 =	vor.u32 v2, v19  }
0x41: {  	s20 =	sadd.s32 $0xA, s13;
	v21 =	vor.u32 v7, v21  }
0x42: {  	v56 =	vmov s20;
	v57 =	vor.u32 s20, v1  }
0x43: {  	v58 =	vbroadcast v18, $0xC;
	v59 =	vbroadcast v18, $0xD;
	v22 =	vshll.u32 v56, $0x3  }
0x44: {  	v23 =	vand.u32 $0x6B, v57;
	v22 =	vand.u32 $0xFFFFFC00, v22  }
0x45: {  	v60 =	vsel vm0, v58, v59;
	[tilespmem:v19+s11+$0x0] =	vst.idx.msk $0xffff, v20;
	v19 =	vor.u32 v23, v22  }
0x46: {  	v20 =	vor.u32 s17, v60;
	v21 =	vld.idx.msk [tilespmem:v21+s10+$0x0], $0xffff;
	v19 =	vor.u32 v2, v19  }
0x47: {  	s21 =	sadd.s32 $0xC, s13;
	v20 =	vor.u32 v8, v20  }
0x48: {  	v61 =	vmov s21;
	v62 =	vor.u32 s21, v1  }
0x49: {  	v63 =	vbroadcast v18, $0xE;
	v18 =	vbroadcast v18, $0xF;
	v22 =	vshll.u32 v61, $0x3  }
0x4a: {  	v23 =	vand.u32 $0x6D, v62;
	v22 =	vand.u32 $0xFFFFFC00, v22  }
0x4b: {  	v18 =	vsel vm0, v63, v18;
	[tilespmem:v19+s11+$0x0] =	vst.idx.msk $0xffff, v21;
	v19 =	vor.u32 v23, v22  }
0x4c: {  	v18 =	vor.u32 s17, v18;
	v20 =	vld.idx.msk [tilespmem:v20+s10+$0x0], $0xffff;
	v19 =	vor.u32 v2, v19  }
0x4d: {  	s22 =	sadd.s32 $0xE, s13;
	v18 =	vor.u32 v9, v18  }
0x4e: {  	v26 =	vmov s22  }
0x4f: {  	v27 =	vor.u32 s22, v1;
	v21 =	vshll.u32 v26, $0x3  }
0x50: {  	v22 =	vand.u32 $0x6F, v27;
	v21 =	vand.u32 $0xFFFFFC00, v21  }
0x51: {  	[tilespmem:v19+s11+$0x0] =	vst.idx.msk $0xffff, v20;
	v19 =	vor.u32 v22, v21  }
0x52: {  	v18 =	vld.idx.msk [tilespmem:v18+s10+$0x0], $0xffff;
	v19 =	vor.u32 v2, v19;
	_ =	sdelay $0x4  }
0x53: {  	[tilespmem:v19+s11+$0x0] =	vst.idx.msk $0xffff, v18  }
0x54: {  	v18 =	vld [tilespmem:s15+$0xFFFFFFF0];
	_ =	sdelay $0x4  }
0x55: {  	v18 =	vand.u32 $0x7F, v18  }
0x56: {  	v19 =	vbroadcast v18, $0x0;
	v28 =	vbroadcast v18, $0x1;
	_ =	sdelay $0x1  }
0x57: {  	v19 =	vsel vm0, v19, v28  }
0x58: {  	v19 =	vor.u32 s17, v19  }
0x59: {  	s23 =	sadd.s32 $0x10, s13;
	v19 =	vor.u32 v10, v19  }
0x5a: {  	v29 =	vmov s23;
	v30 =	vor.u32 s23, v1  }
0x5b: {  	v20 =	vshll.u32 v29, $0x3;
	v31 =	vbroadcast v18, $0x2;
	v32 =	vbroadcast v18, $0x3  }
0x5c: {  	v21 =	vand.u32 $0x71, v30;
	v20 =	vand.u32 $0xFFFFFC00, v20  }
0x5d: {  	v20 =	vor.u32 v21, v20;
	v33 =	vsel vm0, v31, v32  }
0x5e: {  	v20 =	vor.u32 v2, v20;
	v21 =	vor.u32 s17, v33;
	v19 =	vld.idx.msk [tilespmem:v19+s10+$0x0], $0xffff  }
0x5f: {  	s24 =	sadd.s32 $0x12, s13;
	v21 =	vor.u32 v11, v21  }
0x60: {  	v34 =	vmov s24;
	v35 =	vor.u32 s24, v1  }
0x61: {  	v22 =	vshll.u32 v34, $0x3;
	v36 =	vbroadcast v18, $0x4;
	v37 =	vbroadcast v18, $0x5  }
0x62: {  	v23 =	vand.u32 $0x73, v35;
	v22 =	vand.u32 $0xFFFFFC00, v22  }
0x63: {  	v38 =	vsel vm0, v36, v37;
	[tilespmem:v20+s11+$0x0] =	vst.idx.msk $0xffff, v19;
	v19 =	vor.u32 v23, v22  }
0x64: {  	v20 =	vor.u32 s17, v38;
	v21 =	vld.idx.msk [tilespmem:v21+s10+$0x0], $0xffff;
	v19 =	vor.u32 v2, v19  }
0x65: {  	s25 =	sadd.s32 $0x14, s13;
	v20 =	vor.u32 v12, v20  }
0x66: {  	v39 =	vmov s25;
	v40 =	vor.u32 s25, v1  }
0x67: {  	v41 =	vbroadcast v18, $0x6;
	v42 =	vbroadcast v18, $0x7;
	v22 =	vshll.u32 v39, $0x3  }
0x68: {  	v23 =	vand.u32 $0x75, v40;
	v22 =	vand.u32 $0xFFFFFC00, v22  }
0x69: {  	v43 =	vsel vm0, v41, v42;
	[tilespmem:v19+s11+$0x0] =	vst.idx.msk $0xffff, v21;
	v19 =	vor.u32 v23, v22  }
0x6a: {  	v21 =	vor.u32 s17, v43;
	v20 =	vld.idx.msk [tilespmem:v20+s10+$0x0], $0xffff;
	v19 =	vor.u32 v2, v19  }
0x6b: {  	s26 =	sadd.s32 $0x16, s13;
	v21 =	vor.u32 v13, v21  }
0x6c: {  	v44 =	vmov s26;
	v45 =	vor.u32 s26, v1  }
0x6d: {  	v46 =	vbroadcast v18, $0x8;
	v47 =	vbroadcast v18, $0x9;
	v22 =	vshll.u32 v44, $0x3  }
0x6e: {  	v23 =	vand.u32 $0x77, v45;
	v22 =	vand.u32 $0xFFFFFC00, v22  }
0x6f: {  	v48 =	vsel vm0, v46, v47;
	[tilespmem:v19+s11+$0x0] =	vst.idx.msk $0xffff, v20;
	v19 =	vor.u32 v23, v22  }
0x70: {  	v20 =	vor.u32 s17, v48;
	v21 =	vld.idx.msk [tilespmem:v21+s10+$0x0], $0xffff;
	v19 =	vor.u32 v2, v19  }
0x71: {  	s28 =	sadd.s32 $0x18, s13;
	v20 =	vor.u32 v14, v20  }
0x72: {  	v49 =	vmov s28;
	v50 =	vor.u32 s28, v1  }
0x73: {  	v51 =	vbroadcast v18, $0xA;
	v52 =	vbroadcast v18, $0xB;
	v22 =	vshll.u32 v49, $0x3  }
0x74: {  	v23 =	vand.u32 $0x79, v50;
	v22 =	vand.u32 $0xFFFFFC00, v22  }
0x75: {  	v53 =	vsel vm0, v51, v52;
	[tilespmem:v19+s11+$0x0] =	vst.idx.msk $0xffff, v21;
	v19 =	vor.u32 v23, v22  }
0x76: {  	v21 =	vor.u32 s17, v53;
	v20 =	vld.idx.msk [tilespmem:v20+s10+$0x0], $0xffff;
	v19 =	vor.u32 v2, v19  }
0x77: {  	s29 =	sadd.s32 $0x1A, s13;
	v21 =	vor.u32 v15, v21  }
0x78: {  	v54 =	vmov s29;
	v55 =	vor.u32 s29, v1  }
0x79: {  	v56 =	vbroadcast v18, $0xC;
	v57 =	vbroadcast v18, $0xD;
	v22 =	vshll.u32 v54, $0x3  }
0x7a: {  	v23 =	vand.u32 $0x7B, v55;
	v22 =	vand.u32 $0xFFFFFC00, v22  }
0x7b: {  	v58 =	vsel vm0, v56, v57;
	[tilespmem:v19+s11+$0x0] =	vst.idx.msk $0xffff, v20;
	v19 =	vor.u32 v23, v22  }
0x7c: {  	v20 =	vor.u32 s17, v58;
	v21 =	vld.idx.msk [tilespmem:v21+s10+$0x0], $0xffff;
	v19 =	vor.u32 v2, v19  }
0x7d: {  	s30 =	sadd.s32 $0x1C, s13;
	v20 =	vor.u32 v16, v20  }
0x7e: {  	v59 =	vmov s30;
	v60 =	vor.u32 s30, v1  }
0x7f: {  	v61 =	vbroadcast v18, $0xE;
	v18 =	vbroadcast v18, $0xF;
	v22 =	vshll.u32 v59, $0x3  }
0x80: {  	v23 =	vand.u32 $0x7D, v60;
	v22 =	vand.u32 $0xFFFFFC00, v22  }
0x81: {  	v18 =	vsel vm0, v61, v18;
	[tilespmem:v19+s11+$0x0] =	vst.idx.msk $0xffff, v21;
	v19 =	vor.u32 v23, v22  }
0x82: {  	v18 =	vor.u32 s17, v18;
	v20 =	vld.idx.msk [tilespmem:v20+s10+$0x0], $0xffff;
	v19 =	vor.u32 v2, v19  }
0x83: {  	s31 =	sadd.s32 $0x1E, s13;
	v18 =	vor.u32 v17, v18  }
0x84: {  	v62 =	vmov s31  }
0x85: {  	v63 =	vor.u32 s31, v1;
	v21 =	vshll.u32 v62, $0x3  }
0x86: {  	v22 =	vand.u32 $0x7F, v63;
	v21 =	vand.u32 $0xFFFFFC00, v21  }
0x87: {  	[tilespmem:v19+s11+$0x0] =	vst.idx.msk $0xffff, v20;
	v19 =	vor.u32 v22, v21  }
0x88: {  	v18 =	vld.idx.msk [tilespmem:v18+s10+$0x0], $0xffff;
	v19 =	vor.u32 v2, v19;
	_ =	sdelay $0x4  }
0x89: {  	[tilespmem:v19+s11+$0x0] =	vst.idx.msk $0xffff, v18  }
.LBB2_5:
0x8a: {  	s13 =	sadd.s32 $0x20, s13  }
0x8b: {  	p0 =	sne.s32 s13, $0x1000  }
.Ltmp3:
0x8c: {  	_ = 	snop;
	(pc) =	sbr.rel @!p0 .LBB2_6-.Ltmp3, $2  }
0x8d: {  	_ =	sdelay $0x2  }
0x8e: {  	s14 =	sadd.s32 $0x1, s14;
	s16 =	sadd.s32 $0x8000, s16;
	s15 =	sadd.s32 $0x20, s15  }
.LBB2_2:
0x8f: {  	p0 =	seq.s32 s13, $0xFE0  }
.Ltmp4:
0x90: {  	_ = 	snop;
	(pc) =	sbr.rel @p0 .LBB2_4-.Ltmp4, $1  }
0x91: {  	_ =	sdelay $0x3  }
0x92: {  	v18 =	vld [tilespmem:s15+$0x0];
	_ =	sdelay $0x4  }
0x93: {  	v18 =	vshll.u32 v18, $0x3  }
0x94: {  	(v2sf) =	vpush v18, $0x0;
	_ =	sdelay $0x3  }
0x95: {  	(v2sf) =	vpush v18, $0x1;
	_ =	sdelay $0x4  }
0x96: {  	(v2sf) =	vpush v18, $0x2;
	_ =	sdelay $0x5  }
0x97: {  	s17 =	spop (v2sf)  }
0x98: {  	(v2sf) =	vpush v18, $0x3;
	s17 =	sand.u32 $0x7FFFFC00, s17  }
0x99: {  	s18 =	sadd.s32 s5, s17  }
0x9a: {  	s17 =	sand.u32 $0x8000, s16;
	s18 =	sshrl.u32 s18, $0x3  }
0x9b: {  	s30 =	spop (v2sf);
	s19 =	sor.u32 $0x1000, s17;
	s18 =	sadd.s32 s1, s18  }
0x9c: {  	(v2sf) =	vpush v18, $0x4;
	[tilespmem:s19], [sflag:$0x1] =	stream.linear.gather [hbm4b:s18+s2], $0x400, $0x38;
	[tilespmem:$0x19000] =	vst v63  }
0x9d: {  	s18 =	sand.u32 $0x7FFFFC00, s30  }
0x9e: {  	s18 =	sadd.s32 s5, s18  }
0x9f: {  	s18 =	sshrl.u32 s18, $0x3  }
0xa0: {  	s31 =	sor.u32 $0x1400, s17;
	s19 =	spop (v2sf);
	s18 =	sadd.s32 s1, s18  }
0xa1: {  	(v2sf) =	vpush v18, $0x5;
	[tilespmem:s31], [sflag:$0x1] =	stream.linear.gather [hbm4b:s18+s2], $0x400, $0x38;
	[tilespmem:$0x19000] =	vst v63  }
0xa2: {  	s18 =	sand.u32 $0x7FFFFC00, s19  }
0xa3: {  	s18 =	sadd.s32 s5, s18  }
0xa4: {  	s18 =	sshrl.u32 s18, $0x3  }
0xa5: {  	s20 =	sor.u32 $0x1800, s17;
	s18 =	sadd.s32 s1, s18  }
0xa6: {  	[tilespmem:s20], [sflag:$0x1] =	stream.linear.gather [hbm4b:s18+s2], $0x400, $0x38;
	[tilespmem:$0x19000] =	vst v63  }
0xa7: {  	s21 =	spop (v2sf)  }
0xa8: {  	(v2sf) =	vpush v18, $0x6;
	s18 =	sand.u32 $0x7FFFFC00, s21  }
0xa9: {  	s18 =	sadd.s32 s5, s18  }
0xaa: {  	s18 =	sshrl.u32 s18, $0x3  }
0xab: {  	s22 =	sor.u32 $0x1C00, s17;
	s23 =	spop (v2sf);
	s18 =	sadd.s32 s1, s18  }
0xac: {  	(v2sf) =	vpush v18, $0x7;
	[tilespmem:s22], [sflag:$0x1] =	stream.linear.gather [hbm4b:s18+s2], $0x400, $0x38;
	[tilespmem:$0x19000] =	vst v63  }
0xad: {  	s18 =	sand.u32 $0x7FFFFC00, s23  }
0xae: {  	s18 =	sadd.s32 s5, s18  }
0xaf: {  	s18 =	sshrl.u32 s18, $0x3  }
0xb0: {  	s24 =	sor.u32 $0x2000, s17;
	s25 =	spop (v2sf);
	s18 =	sadd.s32 s1, s18  }
0xb1: {  	(v2sf) =	vpush v18, $0x8;
	[tilespmem:s24], [sflag:$0x1] =	stream.linear.gather [hbm4b:s18+s2], $0x400, $0x38;
	[tilespmem:$0x19000] =	vst v63  }
0xb2: {  	s18 =	sand.u32 $0x7FFFFC00, s25  }
0xb3: {  	s18 =	sadd.s32 s5, s18  }
0xb4: {  	s18 =	sshrl.u32 s18, $0x3  }
0xb5: {  	s26 =	sor.u32 $0x2400, s17;
	s18 =	sadd.s32 s1, s18  }
0xb6: {  	[tilespmem:s26], [sflag:$0x1] =	stream.linear.gather [hbm4b:s18+s2], $0x400, $0x38;
	[tilespmem:$0x19000] =	vst v63  }
0xb7: {  	s28 =	spop (v2sf)  }
0xb8: {  	(v2sf) =	vpush v18, $0x9;
	s18 =	sand.u32 $0x7FFFFC00, s28  }
0xb9: {  	s18 =	sadd.s32 s5, s18  }
0xba: {  	s18 =	sshrl.u32 s18, $0x3  }
0xbb: {  	s29 =	sor.u32 $0x2800, s17;
	s30 =	spop (v2sf);
	s18 =	sadd.s32 s1, s18  }
0xbc: {  	(v2sf) =	vpush v18, $0xA;
	[tilespmem:s29], [sflag:$0x1] =	stream.linear.gather [hbm4b:s18+s2], $0x400, $0x38;
	[tilespmem:$0x19000] =	vst v63  }
0xbd: {  	s18 =	sand.u32 $0x7FFFFC00, s30  }
0xbe: {  	s18 =	sadd.s32 s5, s18  }
0xbf: {  	s18 =	sshrl.u32 s18, $0x3  }
0xc0: {  	s31 =	sor.u32 $0x2C00, s17;
	s19 =	spop (v2sf);
	s18 =	sadd.s32 s1, s18  }
0xc1: {  	(v2sf) =	vpush v18, $0xB;
	[tilespmem:s31], [sflag:$0x1] =	stream.linear.gather [hbm4b:s18+s2], $0x400, $0x38;
	[tilespmem:$0x19000] =	vst v63  }
0xc2: {  	s18 =	sand.u32 $0x7FFFFC00, s19  }
0xc3: {  	s18 =	sadd.s32 s5, s18  }
0xc4: {  	s18 =	sshrl.u32 s18, $0x3  }
0xc5: {  	s20 =	sor.u32 $0x3000, s17;
	s18 =	sadd.s32 s1, s18  }
0xc6: {  	[tilespmem:s20], [sflag:$0x1] =	stream.linear.gather [hbm4b:s18+s2], $0x400, $0x38;
	[tilespmem:$0x19000] =	vst v63  }
0xc7: {  	s21 =	spop (v2sf)  }
0xc8: {  	(v2sf) =	vpush v18, $0xC;
	s18 =	sand.u32 $0x7FFFFC00, s21  }
0xc9: {  	s18 =	sadd.s32 s5, s18  }
0xca: {  	s18 =	sshrl.u32 s18, $0x3  }
0xcb: {  	s22 =	sor.u32 $0x3400, s17;
	s23 =	spop (v2sf);
	s18 =	sadd.s32 s1, s18  }
0xcc: {  	(v2sf) =	vpush v18, $0xD;
	[tilespmem:s22], [sflag:$0x1] =	stream.linear.gather [hbm4b:s18+s2], $0x400, $0x38;
	[tilespmem:$0x19000] =	vst v63  }
0xcd: {  	s18 =	sand.u32 $0x7FFFFC00, s23  }
0xce: {  	s18 =	sadd.s32 s5, s18  }
0xcf: {  	s18 =	sshrl.u32 s18, $0x3  }
0xd0: {  	s24 =	sor.u32 $0x3800, s17;
	s25 =	spop (v2sf);
	s18 =	sadd.s32 s1, s18  }
0xd1: {  	(v2sf) =	vpush v18, $0xE;
	[tilespmem:s24], [sflag:$0x1] =	stream.linear.gather [hbm4b:s18+s2], $0x400, $0x38;
	[tilespmem:$0x19000] =	vst v63  }
0xd2: {  	s18 =	sand.u32 $0x7FFFFC00, s25  }
0xd3: {  	s18 =	sadd.s32 s5, s18  }
0xd4: {  	s18 =	sshrl.u32 s18, $0x3  }
0xd5: {  	s26 =	sor.u32 $0x3C00, s17;
	s18 =	sadd.s32 s1, s18  }
0xd6: {  	[tilespmem:s26], [sflag:$0x1] =	stream.linear.gather [hbm4b:s18+s2], $0x400, $0x38;
	[tilespmem:$0x19000] =	vst v63  }
0xd7: {  	s28 =	spop (v2sf)  }
0xd8: {  	(v2sf) =	vpush v18, $0xF;
	s18 =	sand.u32 $0x7FFFFC00, s28  }
0xd9: {  	s18 =	sadd.s32 s5, s18  }
0xda: {  	s18 =	sshrl.u32 s18, $0x3  }
0xdb: {  	s29 =	sor.u32 $0x4000, s17;
	s30 =	spop (v2sf);
	s18 =	sadd.s32 s1, s18  }
0xdc: {  	[tilespmem:s29], [sflag:$0x1] =	stream.linear.gather [hbm4b:s18+s2], $0x400, $0x38;
	[tilespmem:$0x19000] =	vst v63  }
0xdd: {  	s18 =	sand.u32 $0x7FFFFC00, s30  }
0xde: {  	s18 =	sadd.s32 s5, s18  }
0xdf: {  	s18 =	sshrl.u32 s18, $0x3  }
0xe0: {  	s31 =	sor.u32 $0x4400, s17;
	s19 =	spop (v2sf);
	s18 =	sadd.s32 s1, s18  }
0xe1: {  	[tilespmem:s31], [sflag:$0x1] =	stream.linear.gather [hbm4b:s18+s2], $0x400, $0x38;
	[tilespmem:$0x19000] =	vst v63  }
0xe2: {  	s18 =	sand.u32 $0x7FFFFC00, s19  }
0xe3: {  	s18 =	sadd.s32 s5, s18  }
0xe4: {  	s18 =	sshrl.u32 s18, $0x3  }
0xe5: {  	s20 =	sor.u32 $0x4800, s17;
	s18 =	sadd.s32 s1, s18  }
0xe6: {  	[tilespmem:s20], [sflag:$0x1] =	stream.linear.gather [hbm4b:s18+s2], $0x400, $0x38;
	[tilespmem:$0x19000] =	vst v63  }
0xe7: {  	s21 =	spop (v2sf)  }
0xe8: {  	s18 =	sand.u32 $0x7FFFFC00, s21  }
0xe9: {  	s18 =	sadd.s32 s5, s18  }
0xea: {  	s18 =	sshrl.u32 s18, $0x3  }
0xeb: {  	s22 =	sor.u32 $0x4C00, s17;
	s18 =	sadd.s32 s1, s18  }
0xec: {  	[tilespmem:s22], [sflag:$0x1] =	stream.linear.gather [hbm4b:s18+s2], $0x400, $0x38;
	[tilespmem:$0x19000] =	vst v63  }
0xed: {  	v18 =	vld [tilespmem:s15+$0x10];
	_ =	sdelay $0x4  }
0xee: {  	v18 =	vshll.u32 v18, $0x3  }
0xef: {  	(v2sf) =	vpush v18, $0x0;
	_ =	sdelay $0x3  }
0xf0: {  	(v2sf) =	vpush v18, $0x1;
	_ =	sdelay $0x4  }
0xf1: {  	(v2sf) =	vpush v18, $0x2;
	_ =	sdelay $0x5  }
0xf2: {  	s23 =	spop (v2sf)  }
0xf3: {  	(v2sf) =	vpush v18, $0x3;
	s18 =	sand.u32 $0x7FFFFC00, s23  }
0xf4: {  	s18 =	sadd.s32 s5, s18  }
0xf5: {  	s18 =	sshrl.u32 s18, $0x3  }
0xf6: {  	s24 =	sor.u32 $0x5000, s17;
	s25 =	spop (v2sf);
	s18 =	sadd.s32 s1, s18  }
0xf7: {  	(v2sf) =	vpush v18, $0x4;
	[tilespmem:s24], [sflag:$0x1] =	stream.linear.gather [hbm4b:s18+s2], $0x400, $0x38;
	[tilespmem:$0x19000] =	vst v63  }
0xf8: {  	s18 =	sand.u32 $0x7FFFFC00, s25  }
0xf9: {  	s18 =	sadd.s32 s5, s18  }
0xfa: {  	s18 =	sshrl.u32 s18, $0x3  }
0xfb: {  	s26 =	sor.u32 $0x5400, s17;
	s28 =	spop (v2sf);
	s18 =	sadd.s32 s1, s18  }
0xfc: {  	(v2sf) =	vpush v18, $0x5;
	[tilespmem:s26], [sflag:$0x1] =	stream.linear.gather [hbm4b:s18+s2], $0x400, $0x38;
	[tilespmem:$0x19000] =	vst v63  }
0xfd: {  	s18 =	sand.u32 $0x7FFFFC00, s28  }
0xfe: {  	s18 =	sadd.s32 s5, s18  }
0xff: {  	s18 =	sshrl.u32 s18, $0x3  }
0x100: {  	s29 =	sor.u32 $0x5800, s17;
	s18 =	sadd.s32 s1, s18  }
0x101: {  	[tilespmem:s29], [sflag:$0x1] =	stream.linear.gather [hbm4b:s18+s2], $0x400, $0x38;
	[tilespmem:$0x19000] =	vst v63  }
0x102: {  	s30 =	spop (v2sf)  }
0x103: {  	(v2sf) =	vpush v18, $0x6;
	s18 =	sand.u32 $0x7FFFFC00, s30  }
0x104: {  	s18 =	sadd.s32 s5, s18  }
0x105: {  	s18 =	sshrl.u32 s18, $0x3  }
0x106: {  	s31 =	sor.u32 $0x5C00, s17;
	s19 =	spop (v2sf);
	s18 =	sadd.s32 s1, s18  }
0x107: {  	(v2sf) =	vpush v18, $0x7;
	[tilespmem:s31], [sflag:$0x1] =	stream.linear.gather [hbm4b:s18+s2], $0x400, $0x38;
	[tilespmem:$0x19000] =	vst v63  }
0x108: {  	s18 =	sand.u32 $0x7FFFFC00, s19  }
0x109: {  	s18 =	sadd.s32 s5, s18  }
0x10a: {  	s18 =	sshrl.u32 s18, $0x3  }
0x10b: {  	s20 =	sor.u32 $0x6000, s17;
	s21 =	spop (v2sf);
	s18 =	sadd.s32 s1, s18  }
0x10c: {  	(v2sf) =	vpush v18, $0x8;
	[tilespmem:s20], [sflag:$0x1] =	stream.linear.gather [hbm4b:s18+s2], $0x400, $0x38;
	[tilespmem:$0x19000] =	vst v63  }
0x10d: {  	s18 =	sand.u32 $0x7FFFFC00, s21  }
0x10e: {  	s18 =	sadd.s32 s5, s18  }
0x10f: {  	s18 =	sshrl.u32 s18, $0x3  }
0x110: {  	s22 =	sor.u32 $0x6400, s17;
	s18 =	sadd.s32 s1, s18  }
0x111: {  	[tilespmem:s22], [sflag:$0x1] =	stream.linear.gather [hbm4b:s18+s2], $0x400, $0x38;
	[tilespmem:$0x19000] =	vst v63  }
0x112: {  	s23 =	spop (v2sf)  }
0x113: {  	(v2sf) =	vpush v18, $0x9;
	s18 =	sand.u32 $0x7FFFFC00, s23  }
0x114: {  	s18 =	sadd.s32 s5, s18  }
0x115: {  	s18 =	sshrl.u32 s18, $0x3  }
0x116: {  	s24 =	sor.u32 $0x6800, s17;
	s25 =	spop (v2sf);
	s18 =	sadd.s32 s1, s18  }
0x117: {  	(v2sf) =	vpush v18, $0xA;
	[tilespmem:s24], [sflag:$0x1] =	stream.linear.gather [hbm4b:s18+s2], $0x400, $0x38;
	[tilespmem:$0x19000] =	vst v63  }
0x118: {  	s18 =	sand.u32 $0x7FFFFC00, s25  }
0x119: {  	s18 =	sadd.s32 s5, s18  }
0x11a: {  	s18 =	sshrl.u32 s18, $0x3  }
0x11b: {  	s26 =	sor.u32 $0x6C00, s17;
	s28 =	spop (v2sf);
	s18 =	sadd.s32 s1, s18  }
0x11c: {  	(v2sf) =	vpush v18, $0xB;
	[tilespmem:s26], [sflag:$0x1] =	stream.linear.gather [hbm4b:s18+s2], $0x400, $0x38;
	[tilespmem:$0x19000] =	vst v63  }
0x11d: {  	s18 =	sand.u32 $0x7FFFFC00, s28  }
0x11e: {  	s18 =	sadd.s32 s5, s18  }
0x11f: {  	s18 =	sshrl.u32 s18, $0x3  }
0x120: {  	s29 =	sor.u32 $0x7000, s17;
	s18 =	sadd.s32 s1, s18  }
0x121: {  	[tilespmem:s29], [sflag:$0x1] =	stream.linear.gather [hbm4b:s18+s2], $0x400, $0x38;
	[tilespmem:$0x19000] =	vst v63  }
0x122: {  	s30 =	spop (v2sf)  }
0x123: {  	(v2sf) =	vpush v18, $0xC;
	s18 =	sand.u32 $0x7FFFFC00, s30  }
0x124: {  	s18 =	sadd.s32 s5, s18  }
0x125: {  	s18 =	sshrl.u32 s18, $0x3  }
0x126: {  	s31 =	sor.u32 $0x7400, s17;
	s20 =	spop (v2sf);
	s18 =	sadd.s32 s1, s18  }
0x127: {  	(v2sf) =	vpush v18, $0xD;
	[tilespmem:s31], [sflag:$0x1] =	stream.linear.gather [hbm4b:s18+s2], $0x400, $0x38;
	[tilespmem:$0x19000] =	vst v63  }
0x128: {  	s18 =	sand.u32 $0x7FFFFC00, s20  }
0x129: {  	s18 =	sadd.s32 s5, s18  }
0x12a: {  	s18 =	sshrl.u32 s18, $0x3  }
0x12b: {  	s21 =	sor.u32 $0x7800, s17;
	s22 =	spop (v2sf);
	s18 =	sadd.s32 s1, s18  }
0x12c: {  	(v2sf) =	vpush v18, $0xE;
	[tilespmem:s21], [sflag:$0x1] =	stream.linear.gather [hbm4b:s18+s2], $0x400, $0x38;
	[tilespmem:$0x19000] =	vst v63  }
0x12d: {  	s18 =	sand.u32 $0x7FFFFC00, s22  }
0x12e: {  	s18 =	sadd.s32 s5, s18  }
0x12f: {  	s18 =	sshrl.u32 s18, $0x3  }
0x130: {  	s23 =	sor.u32 $0x7C00, s17;
	s18 =	sadd.s32 s1, s18  }
0x131: {  	[tilespmem:s23], [sflag:$0x1] =	stream.linear.gather [hbm4b:s18+s2], $0x400, $0x38;
	[tilespmem:$0x19000] =	vst v63  }
0x132: {  	s24 =	spop (v2sf)  }
0x133: {  	(v2sf) =	vpush v18, $0xF;
	s18 =	sand.u32 $0x7FFFFC00, s24  }
0x134: {  	s18 =	sadd.s32 s5, s18  }
0x135: {  	s18 =	sshrl.u32 s18, $0x3  }
0x136: {  	s25 =	sadd.s32 $0x8000, s17;
	s26 =	spop (v2sf);
	s18 =	sadd.s32 s1, s18  }
0x137: {  	[tilespmem:s25], [sflag:$0x1] =	stream.linear.gather [hbm4b:s18+s2], $0x400, $0x38;
	[tilespmem:$0x19000] =	vst v63  }
0x138: {  	s18 =	sand.u32 $0x7FFFFC00, s26  }
0x139: {  	s18 =	sadd.s32 s5, s18  }
0x13a: {  	s18 =	sshrl.u32 s18, $0x3  }
0x13b: {  	s28 =	sadd.s32 $0x8400, s17;
	s29 =	spop (v2sf);
	s18 =	sadd.s32 s1, s18  }
0x13c: {  	[tilespmem:s28], [sflag:$0x1] =	stream.linear.gather [hbm4b:s18+s2], $0x400, $0x38;
	[tilespmem:$0x19000] =	vst v63  }
0x13d: {  	s18 =	sand.u32 $0x7FFFFC00, s29  }
0x13e: {  	s18 =	sadd.s32 s5, s18  }
0x13f: {  	s18 =	sshrl.u32 s18, $0x3  }
0x140: {  	s30 =	sadd.s32 $0x8800, s17;
	s18 =	sadd.s32 s1, s18  }
0x141: {  	[tilespmem:s30], [sflag:$0x1] =	stream.linear.gather [hbm4b:s18+s2], $0x400, $0x38;
	[tilespmem:$0x19000] =	vst v63  }
0x142: {  	p0 =	seq.s32 s13, $0xFFFFFFE0;
	s31 =	spop (v2sf)  }
.Ltmp5:
0x143: {  	s18 =	sand.u32 $0x7FFFFC00, s31;
	(pc) =	sbr.rel @p0 .LBB2_5-.Ltmp5, $4  }
.Ltmp6:
0x144: {  	s18 =	sadd.s32 s5, s18;
	(pc) =	sbr.rel @!p0 .LBB2_4-.Ltmp6, $4  }
0x145: {  	s18 =	sshrl.u32 s18, $0x3  }
0x146: {  	s17 =	sadd.s32 $0x8C00, s17;
	s18 =	sadd.s32 s1, s18  }
0x147: {  	[tilespmem:s17], [sflag:$0x1] =	stream.linear.gather [hbm4b:s18+s2], $0x400, $0x38;
	[tilespmem:$0x19000] =	vst v63  }
0x148: {  	_ = 	snop  }
.LBB2_7:
0x149: {  	_ =	sfence.sel $0x180000  }
0x14a: {  	[bflag:$0x0] =	sbarrier.arrive $0xFFFF  }
0x14b: {  	p0 =	sne.s32 s3, $0x0;
	_ =	strace $0x90000047  }
0x14c: {  	s0 =	sadd.s32 @!p0 $0x100000, s0;
	[bflag:$0x2] =	sbarrier.arrive $0xFFFF  }
0x14d: {  	[sflag:s0] =	ssyncadd.tile.s32 @!p0 $0x1;
	_ =	shalt  }
.Lfunc_end2:
_tile_overlayer_lowered:
.L_overlay_start_2:
0x14e: {  	(tag) =	ssettag $0x2  }
0x14f: {  	s0 =	rddreg [dreg:$0x0];
	s2 =	stileid.u32  }
0x150: {  	s1 =	rddreg [dreg:$0x1];
	p0 =	sne.s32 s2, $0x0  }
0x151: {  	s3 =	rddreg [dreg:$0x2];
	[bflag:$0x3] =	sbarrier.arrive $0xFFFF;
	s2 =	simm.s32 @!p0 $0x1C02  }
0x152: {  	[timem:s3], [sflag:s2] =	dma.local @!p0 [hbm:s0], s1  }
0x153: {  	s0 =	simm.s32 @!p0 $0x2  }
0x154: {  	_ =	swait.ge @!p0 [sflag:s0], s1  }
0x155: {  	s1 =	ssub.s32 @!p0 $0x0, s1;
	[sflag:s0] =	ssyncset.done @!p0 $0x0  }
0x156: {  	[sflag:s0] =	ssyncadd.s32 @!p0 s1  }
0x157: {  	[bflag:$0x3] =	sbarrier.arrive $0xFFFF  }
0x158: {  	_ =	shalt  }

</sc_bundles>
